<compile_context>
chip_gen: v7x
topology: tpu7x:2x2x1
jax: 0.10.2.dev20260603
libtpu: 0.0.44.dev20260713+nightly
codegen_flags: <defaults>
</compile_context>

<pallas_src>
import functools

import jax
import jax.numpy as jnp
from jax import lax
from jax.experimental import pallas as pl
from jax.experimental.pallas import tpu as pltpu
from jax.experimental.pallas import tpu_sc as plsc

_C = 128
_DIMS = (64, 32, 16, 32)


def _make_gather(B):
    info = plsc.get_sparse_core_info()
    nc = info.num_cores
    nw = nc * info.num_subcores
    n = B // nw
    nch = n // _C
    mesh = plsc.VectorSubcoreMesh(core_axis_name="c", subcore_axis_name="s")

    out_type = [jax.ShapeDtypeStruct((B, d), jnp.float32) for d in _DIMS]
    scratch = ([pltpu.VMEM((nch, _C), jnp.int32) for _ in _DIMS]
               + [pltpu.VMEM((n, d), jnp.float32) for d in _DIMS]
               + [pltpu.SemaphoreType.DMA])

    @functools.partial(
        pl.kernel, mesh=mesh, out_type=out_type, scratch_types=scratch,
        compiler_params=pltpu.CompilerParams(use_tc_tiling_on_sc=False))
    def gather(ids0, ids1, ids2, ids3, t0, t1, t2, t3,
               o0, o1, o2, o3, i0, i1, i2, i3, r0, r1, r2, r3, sem):
        wid = lax.axis_index("s") * nc + lax.axis_index("c")
        idx = (i0, i1, i2, i3)
        ids = (ids0, ids1, ids2, ids3)
        tab = (t0, t1, t2, t3)
        rows = (r0, r1, r2, r3)
        outs = (o0, o1, o2, o3)
        crow = wid * nch
        for k in range(4):
            pltpu.sync_copy(ids[k].at[pl.ds(crow, nch)], idx[k])
        copies = []
        for j in range(nch):
            for k in range(4):
                copies.append(pltpu.async_copy(
                    tab[k].at[idx[k].at[j]],
                    rows[k].at[pl.ds(j * _C, _C)], sem))
        for c in copies:
            c.wait()
        base = wid * n
        for k in range(4):
            pltpu.sync_copy(rows[k], outs[k].at[pl.ds(base, n)])

    return gather


def _mlp_body(item_r, br_r, ct_r, sl_r, ft_r,
              wi_r, wb_r, wc_r, ws_r, wf_r, b1_r, w2_r, b2_r, out_r):
    f32 = jnp.float32
    h = jnp.dot(item_r[...], wi_r[...], preferred_element_type=f32)
    h = h + jnp.dot(br_r[...], wb_r[...], preferred_element_type=f32)
    h = h + jnp.dot(ct_r[...], wc_r[...], preferred_element_type=f32)
    h = h + jnp.dot(sl_r[...], ws_r[...], preferred_element_type=f32)
    h = h + jnp.dot(ft_r[...], wf_r[...], preferred_element_type=f32)
    h = jnp.maximum(h + b1_r[...], 0.0)
    out_r[...] = jnp.dot(h, w2_r[...], preferred_element_type=f32) + b2_r[...]


def kernel(item_ids, item_features, item_table, emb_brand, emb_category,
           emb_seller, W1, b1, W2, b2):
    B = item_ids.shape[0]
    ids = item_ids.astype(jnp.int32).reshape(B // _C, _C)
    f_idx = item_features[:, :3].astype(jnp.int32)
    brand = f_idx[:, 0].reshape(B // _C, _C)
    cat = f_idx[:, 1].reshape(B // _C, _C)
    sell = f_idx[:, 2].reshape(B // _C, _C)
    feats = item_features[:, 3:37]

    item_e, br_e, ct_e, sl_e = _make_gather(B)(
        ids, brand, cat, sell, item_table, emb_brand, emb_category, emb_seller)

    wi = W1[:, 0:64].T
    wb = W1[:, 64:96].T
    wc = W1[:, 96:112].T
    ws = W1[:, 112:144].T
    wf = W1[:, 144:178].T
    b1r = b1.reshape(1, -1)
    b2r = b2.reshape(1, -1)

    bt = 1024
    H = W1.shape[0]
    O = W2.shape[0]
    out = pl.pallas_call(
        _mlp_body,
        grid=(B // bt,),
        in_specs=[
            pl.BlockSpec((bt, 64), lambda i: (i, 0)),
            pl.BlockSpec((bt, 32), lambda i: (i, 0)),
            pl.BlockSpec((bt, 16), lambda i: (i, 0)),
            pl.BlockSpec((bt, 32), lambda i: (i, 0)),
            pl.BlockSpec((bt, 34), lambda i: (i, 0)),
            pl.BlockSpec((64, H), lambda i: (0, 0)),
            pl.BlockSpec((32, H), lambda i: (0, 0)),
            pl.BlockSpec((16, H), lambda i: (0, 0)),
            pl.BlockSpec((32, H), lambda i: (0, 0)),
            pl.BlockSpec((34, H), lambda i: (0, 0)),
            pl.BlockSpec((1, H), lambda i: (0, 0)),
            pl.BlockSpec((H, O), lambda i: (0, 0)),
            pl.BlockSpec((1, O), lambda i: (0, 0)),
        ],
        out_specs=pl.BlockSpec((bt, O), lambda i: (i, 0)),
        out_shape=jax.ShapeDtypeStruct((B, O), jnp.float32),
    )(item_e, br_e, ct_e, sl_e, feats, wi, wb, wc, ws, wf, b1r, W2.T, b2r)
    return out

# --- scband reference (transcript-rebuilt; emitter-appended) ---
"""Pipeline reference for scband-item-tower-31155692765469 (READ-ONLY COPY).

The authoritative reference and input builder live on the scoring server;
editing this copy changes nothing except your own understanding.
"""

import jax, jax.numpy as jnp
import numpy as np


def setup_inputs(seed: int = 0) -> dict:
    key = jax.random.key(seed)
    ks = jax.random.split(key, 10)
    B = 16384
    num_items = 1000000
    embedding_dim = 64
    hidden_dim = 256
    output_dim = 64
    # total feature dim = 32 + 16 + 32 + 1 + 1 + 32 = 114; total_dims = 64 + 114 = 178
    total_dims = 178
    item_ids = jax.random.randint(ks[0], (B,), 0, num_items)
    # feature layout: [brand_idx, category_idx, seller_idx, price, popularity, tags(32)] -> 37 cols
    # all embedding-index columns must be < min vocab (1000), so draw in [0, 1000)
    item_features = jax.random.randint(ks[1], (B, 37), 0, 1000).astype(jnp.float32)
    item_table = jax.random.normal(ks[2], (num_items, embedding_dim), dtype=jnp.float32) * 0.05
    emb_brand = jax.random.normal(ks[3], (10000, 32), dtype=jnp.float32) * 0.05
    emb_category = jax.random.normal(ks[4], (1000, 16), dtype=jnp.float32) * 0.05
    emb_seller = jax.random.normal(ks[5], (100000, 32), dtype=jnp.float32) * 0.05
    W1 = jax.random.normal(ks[6], (hidden_dim, total_dims), dtype=jnp.float32) * 0.05
    b1 = jnp.zeros((hidden_dim,), dtype=jnp.float32)
    W2 = jax.random.normal(ks[7], (output_dim, hidden_dim), dtype=jnp.float32) * 0.05
    b2 = jnp.zeros((output_dim,), dtype=jnp.float32)
    return {
        'item_ids': item_ids,
        'item_features': item_features,
        'item_table': item_table,
        'emb_brand': emb_brand,
        'emb_category': emb_category,
        'emb_seller': emb_seller,
        'W1': W1,
        'b1': b1,
        'W2': W2,
        'b2': b2,
    }


def reference(item_ids, item_features, item_table, emb_brand, emb_category, emb_seller, W1, b1, W2, b2):
    # per-feature processing, matching the torch ModuleDict iteration order
    idx_brand = item_features[:, 0].astype(jnp.int32)
    idx_category = item_features[:, 1].astype(jnp.int32)
    idx_seller = item_features[:, 2].astype(jnp.int32)
    processed = [
        jnp.take(emb_brand, idx_brand, axis=0),
        jnp.take(emb_category, idx_category, axis=0),
        jnp.take(emb_seller, idx_seller, axis=0),
        item_features[:, 3:4],
        item_features[:, 4:5],
        item_features[:, 5:37],
    ]
    feature_vec = jnp.concatenate(processed, axis=1)
    item_emb = jnp.take(item_table, item_ids, axis=0)
    x = jnp.concatenate([item_emb, feature_vec], axis=1)
    x = x @ W1.T + b1
    x = jnp.maximum(x, 0.0)
    x = x @ W2.T + b2
    return x

if __name__ == "__main__":
    import jax
    _d = setup_inputs()
    print(jax.jit(kernel)(*tuple(_d.values())))

</pallas_src>

<mosaic_0001>
#map = affine_map<(d0, d1) -> (0, 0)>
module attributes {stable_mosaic.version = 14 : i64} {
  func.func @gather(%arg0: i32, %arg1: i32, %arg2: memref<128x128xi32, #tpu.memory_space<hbm>>, %arg3: memref<128x128xi32, #tpu.memory_space<hbm>>, %arg4: memref<128x128xi32, #tpu.memory_space<hbm>>, %arg5: memref<128x128xi32, #tpu.memory_space<hbm>>, %arg6: memref<1000000x64xf32, #tpu.memory_space<hbm>>, %arg7: memref<10000x32xf32, #tpu.memory_space<hbm>>, %arg8: memref<1000x16xf32, #tpu.memory_space<hbm>>, %arg9: memref<100000x32xf32, #tpu.memory_space<hbm>>, %arg10: memref<16384x64xf32, #tpu.memory_space<hbm>>, %arg11: memref<16384x32xf32, #tpu.memory_space<hbm>>, %arg12: memref<16384x16xf32, #tpu.memory_space<hbm>>, %arg13: memref<16384x32xf32, #tpu.memory_space<hbm>>, %arg14: memref<4x128xi32, #tpu.memory_space<vmem>>, %arg15: memref<4x128xi32, #tpu.memory_space<vmem>>, %arg16: memref<4x128xi32, #tpu.memory_space<vmem>>, %arg17: memref<4x128xi32, #tpu.memory_space<vmem>>, %arg18: memref<512x64xf32, #tpu.memory_space<vmem>>, %arg19: memref<512x32xf32, #tpu.memory_space<vmem>>, %arg20: memref<512x16xf32, #tpu.memory_space<vmem>>, %arg21: memref<512x32xf32, #tpu.memory_space<vmem>>, %arg22: memref<!tpu.dma_semaphore, #tpu.memory_space<semaphore_mem>>) attributes {dimension_semantics = [#tpu.dimension_semantics<core_parallel>, #tpu.dimension_semantics<subcore_parallel>], iteration_bounds = array<i64: 2, 16>, scalar_prefetch = 0 : i64, scratch_operands = 9 : i64, tpu.core_type = #tpu.core_type<sc_vector_subcore>, window_params = [{transform_indices = #map}, {transform_indices = #map}, {transform_indices = #map}, {transform_indices = #map}, {transform_indices = #map}, {transform_indices = #map}, {transform_indices = #map}, {transform_indices = #map}, {transform_indices = #map}, {transform_indices = #map}, {transform_indices = #map}, {transform_indices = #map}]} {
    %mul3A = arith.constant 2 : i32
    %mul3A_0 = arith.muli %arg1, %mul3A : i32
    %add3A = arith.addi %mul3A_0, %arg0 : i32
    %mul3A_1 = arith.constant 4 : i32
    %mul3A_2 = arith.muli %add3A, %mul3A_1 : i32
    "tpu.region"() ({
      %run_scoped3A = tpu.sem_alloc : memref<!tpu.dma_semaphore, #tpu.memory_space<semaphore_mem>>
      %dma_start3A_323 = arith.constant 0 : i32
      %dma_start3A_324 = tpu.memref_slice %arg2[%mul3A_2, %dma_start3A_323] : memref<128x128xi32, #tpu.memory_space<hbm>> -> memref<4x128xi32, #tpu.memory_space<hbm>>
      %dma_start3A_325 = arith.constant 0 : i32
      %dma_start3A_326 = tpu.memref_slice %arg2[%mul3A_2, %dma_start3A_325] : memref<128x128xi32, #tpu.memory_space<hbm>> -> memref<4x128xi32, #tpu.memory_space<hbm>>
      tpu.enqueue_dma source(%dma_start3A_326 : memref<4x128xi32, #tpu.memory_space<hbm>>) target(%arg14 : memref<4x128xi32, #tpu.memory_space<vmem>>) target_semaphore(%run_scoped3A : memref<!tpu.dma_semaphore, #tpu.memory_space<semaphore_mem>>)
      %dma_wait3A_327 = arith.constant 0 : i32
      %dma_wait3A_328 = tpu.memref_slice %arg2[%mul3A_2, %dma_wait3A_327] : memref<128x128xi32, #tpu.memory_space<hbm>> -> memref<4x128xi32, #tpu.memory_space<hbm>>
      %dma_wait3A_329 = arith.constant 0 : i32
      %dma_wait3A_330 = tpu.memref_slice %arg2[%mul3A_2, %dma_wait3A_329] : memref<128x128xi32, #tpu.memory_space<hbm>> -> memref<4x128xi32, #tpu.memory_space<hbm>>
      tpu.wait_dma2 semaphore(%run_scoped3A : memref<!tpu.dma_semaphore, #tpu.memory_space<semaphore_mem>>) src(%dma_wait3A_330 : memref<4x128xi32, #tpu.memory_space<hbm>>) dst(%arg14 : memref<4x128xi32, #tpu.memory_space<vmem>>)
      tpu.yield
    }) : () -> ()
    "tpu.region"() ({
      %run_scoped3A = tpu.sem_alloc : memref<!tpu.dma_semaphore, #tpu.memory_space<semaphore_mem>>
      %dma_start3A_323 = arith.constant 0 : i32
      %dma_start3A_324 = tpu.memref_slice %arg3[%mul3A_2, %dma_start3A_323] : memref<128x128xi32, #tpu.memory_space<hbm>> -> memref<4x128xi32, #tpu.memory_space<hbm>>
      %dma_start3A_325 = arith.constant 0 : i32
      %dma_start3A_326 = tpu.memref_slice %arg3[%mul3A_2, %dma_start3A_325] : memref<128x128xi32, #tpu.memory_space<hbm>> -> memref<4x128xi32, #tpu.memory_space<hbm>>
      tpu.enqueue_dma source(%dma_start3A_326 : memref<4x128xi32, #tpu.memory_space<hbm>>) target(%arg15 : memref<4x128xi32, #tpu.memory_space<vmem>>) target_semaphore(%run_scoped3A : memref<!tpu.dma_semaphore, #tpu.memory_space<semaphore_mem>>)
      %dma_wait3A_327 = arith.constant 0 : i32
      %dma_wait3A_328 = tpu.memref_slice %arg3[%mul3A_2, %dma_wait3A_327] : memref<128x128xi32, #tpu.memory_space<hbm>> -> memref<4x128xi32, #tpu.memory_space<hbm>>
      %dma_wait3A_329 = arith.constant 0 : i32
      %dma_wait3A_330 = tpu.memref_slice %arg3[%mul3A_2, %dma_wait3A_329] : memref<128x128xi32, #tpu.memory_space<hbm>> -> memref<4x128xi32, #tpu.memory_space<hbm>>
      tpu.wait_dma2 semaphore(%run_scoped3A : memref<!tpu.dma_semaphore, #tpu.memory_space<semaphore_mem>>) src(%dma_wait3A_330 : memref<4x128xi32, #tpu.memory_space<hbm>>) dst(%arg15 : memref<4x128xi32, #tpu.memory_space<vmem>>)
      tpu.yield
    }) : () -> ()
    "tpu.region"() ({
      %run_scoped3A = tpu.sem_alloc : memref<!tpu.dma_semaphore, #tpu.memory_space<semaphore_mem>>
      %dma_start3A_323 = arith.constant 0 : i32
      %dma_start3A_324 = tpu.memref_slice %arg4[%mul3A_2, %dma_start3A_323] : memref<128x128xi32, #tpu.memory_space<hbm>> -> memref<4x128xi32, #tpu.memory_space<hbm>>
      %dma_start3A_325 = arith.constant 0 : i32
      %dma_start3A_326 = tpu.memref_slice %arg4[%mul3A_2, %dma_start3A_325] : memref<128x128xi32, #tpu.memory_space<hbm>> -> memref<4x128xi32, #tpu.memory_space<hbm>>
      tpu.enqueue_dma source(%dma_start3A_326 : memref<4x128xi32, #tpu.memory_space<hbm>>) target(%arg16 : memref<4x128xi32, #tpu.memory_space<vmem>>) target_semaphore(%run_scoped3A : memref<!tpu.dma_semaphore, #tpu.memory_space<semaphore_mem>>)
      %dma_wait3A_327 = arith.constant 0 : i32
      %dma_wait3A_328 = tpu.memref_slice %arg4[%mul3A_2, %dma_wait3A_327] : memref<128x128xi32, #tpu.memory_space<hbm>> -> memref<4x128xi32, #tpu.memory_space<hbm>>
      %dma_wait3A_329 = arith.constant 0 : i32
      %dma_wait3A_330 = tpu.memref_slice %arg4[%mul3A_2, %dma_wait3A_329] : memref<128x128xi32, #tpu.memory_space<hbm>> -> memref<4x128xi32, #tpu.memory_space<hbm>>
      tpu.wait_dma2 semaphore(%run_scoped3A : memref<!tpu.dma_semaphore, #tpu.memory_space<semaphore_mem>>) src(%dma_wait3A_330 : memref<4x128xi32, #tpu.memory_space<hbm>>) dst(%arg16 : memref<4x128xi32, #tpu.memory_space<vmem>>)
      tpu.yield
    }) : () -> ()
    "tpu.region"() ({
      %run_scoped3A = tpu.sem_alloc : memref<!tpu.dma_semaphore, #tpu.memory_space<semaphore_mem>>
      %dma_start3A_323 = arith.constant 0 : i32
      %dma_start3A_324 = tpu.memref_slice %arg5[%mul3A_2, %dma_start3A_323] : memref<128x128xi32, #tpu.memory_space<hbm>> -> memref<4x128xi32, #tpu.memory_space<hbm>>
      %dma_start3A_325 = arith.constant 0 : i32
      %dma_start3A_326 = tpu.memref_slice %arg5[%mul3A_2, %dma_start3A_325] : memref<128x128xi32, #tpu.memory_space<hbm>> -> memref<4x128xi32, #tpu.memory_space<hbm>>
      tpu.enqueue_dma source(%dma_start3A_326 : memref<4x128xi32, #tpu.memory_space<hbm>>) target(%arg17 : memref<4x128xi32, #tpu.memory_space<vmem>>) target_semaphore(%run_scoped3A : memref<!tpu.dma_semaphore, #tpu.memory_space<semaphore_mem>>)
      %dma_wait3A_327 = arith.constant 0 : i32
      %dma_wait3A_328 = tpu.memref_slice %arg5[%mul3A_2, %dma_wait3A_327] : memref<128x128xi32, #tpu.memory_space<hbm>> -> memref<4x128xi32, #tpu.memory_space<hbm>>
      %dma_wait3A_329 = arith.constant 0 : i32
      %dma_wait3A_330 = tpu.memref_slice %arg5[%mul3A_2, %dma_wait3A_329] : memref<128x128xi32, #tpu.memory_space<hbm>> -> memref<4x128xi32, #tpu.memory_space<hbm>>
      tpu.wait_dma2 semaphore(%run_scoped3A : memref<!tpu.dma_semaphore, #tpu.memory_space<semaphore_mem>>) src(%dma_wait3A_330 : memref<4x128xi32, #tpu.memory_space<hbm>>) dst(%arg17 : memref<4x128xi32, #tpu.memory_space<vmem>>)
      tpu.yield
    }) : () -> ()
    %dma_start3A = arith.constant 0 : i32
    %dma_start3A_3 = arith.constant 0 : i32
    %dma_start3A_4 = arith.constant 0 : i32
    %dma_start3A_5 = tpu.memref_slice %arg18[%dma_start3A_3, %dma_start3A_4] : memref<512x64xf32, #tpu.memory_space<vmem>> -> memref<128x64xf32, #tpu.memory_space<vmem>>
    %dma_start3A_6 = arith.constant 0 : i32
    %dma_start3A_7 = tpu.memref_slice %arg14[%dma_start3A, %dma_start3A_6] : memref<4x128xi32, #tpu.memory_space<vmem>> -> memref<1x128xi32, #tpu.memory_space<vmem>>
    %dma_start3A_8 = tpu.memref_squeeze %dma_start3A_7 : memref<1x128xi32, #tpu.memory_space<vmem>> -> memref<128xi32, #tpu.memory_space<vmem>>
    %dma_start3A_9 = arith.constant 0 : i32
    %dma_start3A_10 = arith.constant 0 : i32
    %dma_start3A_11 = tpu.memref_slice %arg6[%dma_start3A_9, %dma_start3A_10] : memref<1000000x64xf32, #tpu.memory_space<hbm>> -> memref<1000000x64xf32, #tpu.memory_space<hbm>>
    tpu.enqueue_indirect_dma source(%dma_start3A_11 : memref<1000000x64xf32, #tpu.memory_space<hbm>>) target(%dma_start3A_5 : memref<128x64xf32, #tpu.memory_space<vmem>>) offsets(%dma_start3A_8 : memref<128xi32, #tpu.memory_space<vmem>>) semaphore(%arg22 : memref<!tpu.dma_semaphore, #tpu.memory_space<semaphore_mem>>)
    %dma_start3A_12 = arith.constant 0 : i32
    %dma_start3A_13 = arith.constant 0 : i32
    %dma_start3A_14 = arith.constant 0 : i32
    %dma_start3A_15 = tpu.memref_slice %arg19[%dma_start3A_13, %dma_start3A_14] : memref<512x32xf32, #tpu.memory_space<vmem>> -> memref<128x32xf32, #tpu.memory_space<vmem>>
    %dma_start3A_16 = arith.constant 0 : i32
    %dma_start3A_17 = tpu.memref_slice %arg15[%dma_start3A_12, %dma_start3A_16] : memref<4x128xi32, #tpu.memory_space<vmem>> -> memref<1x128xi32, #tpu.memory_space<vmem>>
    %dma_start3A_18 = tpu.memref_squeeze %dma_start3A_17 : memref<1x128xi32, #tpu.memory_space<vmem>> -> memref<128xi32, #tpu.memory_space<vmem>>
    %dma_start3A_19 = arith.constant 0 : i32
    %dma_start3A_20 = arith.constant 0 : i32
    %dma_start3A_21 = tpu.memref_slice %arg7[%dma_start3A_19, %dma_start3A_20] : memref<10000x32xf32, #tpu.memory_space<hbm>> -> memref<10000x32xf32, #tpu.memory_space<hbm>>
    tpu.enqueue_indirect_dma source(%dma_start3A_21 : memref<10000x32xf32, #tpu.memory_space<hbm>>) target(%dma_start3A_15 : memref<128x32xf32, #tpu.memory_space<vmem>>) offsets(%dma_start3A_18 : memref<128xi32, #tpu.memory_space<vmem>>) semaphore(%arg22 : memref<!tpu.dma_semaphore, #tpu.memory_space<semaphore_mem>>)
    %dma_start3A_22 = arith.constant 0 : i32
    %dma_start3A_23 = arith.constant 0 : i32
    %dma_start3A_24 = arith.constant 0 : i32
    %dma_start3A_25 = tpu.memref_slice %arg20[%dma_start3A_23, %dma_start3A_24] : memref<512x16xf32, #tpu.memory_space<vmem>> -> memref<128x16xf32, #tpu.memory_space<vmem>>
    %dma_start3A_26 = arith.constant 0 : i32
    %dma_start3A_27 = tpu.memref_slice %arg16[%dma_start3A_22, %dma_start3A_26] : memref<4x128xi32, #tpu.memory_space<vmem>> -> memref<1x128xi32, #tpu.memory_space<vmem>>
    %dma_start3A_28 = tpu.memref_squeeze %dma_start3A_27 : memref<1x128xi32, #tpu.memory_space<vmem>> -> memref<128xi32, #tpu.memory_space<vmem>>
    %dma_start3A_29 = arith.constant 0 : i32
    %dma_start3A_30 = arith.constant 0 : i32
    %dma_start3A_31 = tpu.memref_slice %arg8[%dma_start3A_29, %dma_start3A_30] : memref<1000x16xf32, #tpu.memory_space<hbm>> -> memref<1000x16xf32, #tpu.memory_space<hbm>>
    tpu.enqueue_indirect_dma source(%dma_start3A_31 : memref<1000x16xf32, #tpu.memory_space<hbm>>) target(%dma_start3A_25 : memref<128x16xf32, #tpu.memory_space<vmem>>) offsets(%dma_start3A_28 : memref<128xi32, #tpu.memory_space<vmem>>) semaphore(%arg22 : memref<!tpu.dma_semaphore, #tpu.memory_space<semaphore_mem>>)
    %dma_start3A_32 = arith.constant 0 : i32
    %dma_start3A_33 = arith.constant 0 : i32
    %dma_start3A_34 = arith.constant 0 : i32
    %dma_start3A_35 = tpu.memref_slice %arg21[%dma_start3A_33, %dma_start3A_34] : memref<512x32xf32, #tpu.memory_space<vmem>> -> memref<128x32xf32, #tpu.memory_space<vmem>>
    %dma_start3A_36 = arith.constant 0 : i32
    %dma_start3A_37 = tpu.memref_slice %arg17[%dma_start3A_32, %dma_start3A_36] : memref<4x128xi32, #tpu.memory_space<vmem>> -> memref<1x128xi32, #tpu.memory_space<vmem>>
    %dma_start3A_38 = tpu.memref_squeeze %dma_start3A_37 : memref<1x128xi32, #tpu.memory_space<vmem>> -> memref<128xi32, #tpu.memory_space<vmem>>
    %dma_start3A_39 = arith.constant 0 : i32
    %dma_start3A_40 = arith.constant 0 : i32
    %dma_start3A_41 = tpu.memref_slice %arg9[%dma_start3A_39, %dma_start3A_40] : memref<100000x32xf32, #tpu.memory_space<hbm>> -> memref<100000x32xf32, #tpu.memory_space<hbm>>
    tpu.enqueue_indirect_dma source(%dma_start3A_41 : memref<100000x32xf32, #tpu.memory_space<hbm>>) target(%dma_start3A_35 : memref<128x32xf32, #tpu.memory_space<vmem>>) offsets(%dma_start3A_38 : memref<128xi32, #tpu.memory_space<vmem>>) semaphore(%arg22 : memref<!tpu.dma_semaphore, #tpu.memory_space<semaphore_mem>>)
    %dma_start3A_42 = arith.constant 1 : i32
    %dma_start3A_43 = arith.constant 128 : i32
    %dma_start3A_44 = arith.constant 0 : i32
    %dma_start3A_45 = tpu.memref_slice %arg18[%dma_start3A_43, %dma_start3A_44] : memref<512x64xf32, #tpu.memory_space<vmem>> -> memref<128x64xf32, #tpu.memory_space<vmem>>
    %dma_start3A_46 = arith.constant 0 : i32
    %dma_start3A_47 = tpu.memref_slice %arg14[%dma_start3A_42, %dma_start3A_46] : memref<4x128xi32, #tpu.memory_space<vmem>> -> memref<1x128xi32, #tpu.memory_space<vmem>>
    %dma_start3A_48 = tpu.memref_squeeze %dma_start3A_47 : memref<1x128xi32, #tpu.memory_space<vmem>> -> memref<128xi32, #tpu.memory_space<vmem>>
    %dma_start3A_49 = arith.constant 0 : i32
    %dma_start3A_50 = arith.constant 0 : i32
    %dma_start3A_51 = tpu.memref_slice %arg6[%dma_start3A_49, %dma_start3A_50] : memref<1000000x64xf32, #tpu.memory_space<hbm>> -> memref<1000000x64xf32, #tpu.memory_space<hbm>>
    tpu.enqueue_indirect_dma source(%dma_start3A_51 : memref<1000000x64xf32, #tpu.memory_space<hbm>>) target(%dma_start3A_45 : memref<128x64xf32, #tpu.memory_space<vmem>>) offsets(%dma_start3A_48 : memref<128xi32, #tpu.memory_space<vmem>>) semaphore(%arg22 : memref<!tpu.dma_semaphore, #tpu.memory_space<semaphore_mem>>)
    %dma_start3A_52 = arith.constant 1 : i32
    %dma_start3A_53 = arith.constant 128 : i32
    %dma_start3A_54 = arith.constant 0 : i32
    %dma_start3A_55 = tpu.memref_slice %arg19[%dma_start3A_53, %dma_start3A_54] : memref<512x32xf32, #tpu.memory_space<vmem>> -> memref<128x32xf32, #tpu.memory_space<vmem>>
    %dma_start3A_56 = arith.constant 0 : i32
    %dma_start3A_57 = tpu.memref_slice %arg15[%dma_start3A_52, %dma_start3A_56] : memref<4x128xi32, #tpu.memory_space<vmem>> -> memref<1x128xi32, #tpu.memory_space<vmem>>
    %dma_start3A_58 = tpu.memref_squeeze %dma_start3A_57 : memref<1x128xi32, #tpu.memory_space<vmem>> -> memref<128xi32, #tpu.memory_space<vmem>>
    %dma_start3A_59 = arith.constant 0 : i32
    %dma_start3A_60 = arith.constant 0 : i32
    %dma_start3A_61 = tpu.memref_slice %arg7[%dma_start3A_59, %dma_start3A_60] : memref<10000x32xf32, #tpu.memory_space<hbm>> -> memref<10000x32xf32, #tpu.memory_space<hbm>>
    tpu.enqueue_indirect_dma source(%dma_start3A_61 : memref<10000x32xf32, #tpu.memory_space<hbm>>) target(%dma_start3A_55 : memref<128x32xf32, #tpu.memory_space<vmem>>) offsets(%dma_start3A_58 : memref<128xi32, #tpu.memory_space<vmem>>) semaphore(%arg22 : memref<!tpu.dma_semaphore, #tpu.memory_space<semaphore_mem>>)
    %dma_start3A_62 = arith.constant 1 : i32
    %dma_start3A_63 = arith.constant 128 : i32
    %dma_start3A_64 = arith.constant 0 : i32
    %dma_start3A_65 = tpu.memref_slice %arg20[%dma_start3A_63, %dma_start3A_64] : memref<512x16xf32, #tpu.memory_space<vmem>> -> memref<128x16xf32, #tpu.memory_space<vmem>>
    %dma_start3A_66 = arith.constant 0 : i32
    %dma_start3A_67 = tpu.memref_slice %arg16[%dma_start3A_62, %dma_start3A_66] : memref<4x128xi32, #tpu.memory_space<vmem>> -> memref<1x128xi32, #tpu.memory_space<vmem>>
    %dma_start3A_68 = tpu.memref_squeeze %dma_start3A_67 : memref<1x128xi32, #tpu.memory_space<vmem>> -> memref<128xi32, #tpu.memory_space<vmem>>
    %dma_start3A_69 = arith.constant 0 : i32
    %dma_start3A_70 = arith.constant 0 : i32
    %dma_start3A_71 = tpu.memref_slice %arg8[%dma_start3A_69, %dma_start3A_70] : memref<1000x16xf32, #tpu.memory_space<hbm>> -> memref<1000x16xf32, #tpu.memory_space<hbm>>
    tpu.enqueue_indirect_dma source(%dma_start3A_71 : memref<1000x16xf32, #tpu.memory_space<hbm>>) target(%dma_start3A_65 : memref<128x16xf32, #tpu.memory_space<vmem>>) offsets(%dma_start3A_68 : memref<128xi32, #tpu.memory_space<vmem>>) semaphore(%arg22 : memref<!tpu.dma_semaphore, #tpu.memory_space<semaphore_mem>>)
    %dma_start3A_72 = arith.constant 1 : i32
    %dma_start3A_73 = arith.constant 128 : i32
    %dma_start3A_74 = arith.constant 0 : i32
    %dma_start3A_75 = tpu.memref_slice %arg21[%dma_start3A_73, %dma_start3A_74] : memref<512x32xf32, #tpu.memory_space<vmem>> -> memref<128x32xf32, #tpu.memory_space<vmem>>
    %dma_start3A_76 = arith.constant 0 : i32
    %dma_start3A_77 = tpu.memref_slice %arg17[%dma_start3A_72, %dma_start3A_76] : memref<4x128xi32, #tpu.memory_space<vmem>> -> memref<1x128xi32, #tpu.memory_space<vmem>>
    %dma_start3A_78 = tpu.memref_squeeze %dma_start3A_77 : memref<1x128xi32, #tpu.memory_space<vmem>> -> memref<128xi32, #tpu.memory_space<vmem>>
    %dma_start3A_79 = arith.constant 0 : i32
    %dma_start3A_80 = arith.constant 0 : i32
    %dma_start3A_81 = tpu.memref_slice %arg9[%dma_start3A_79, %dma_start3A_80] : memref<100000x32xf32, #tpu.memory_space<hbm>> -> memref<100000x32xf32, #tpu.memory_space<hbm>>
    tpu.enqueue_indirect_dma source(%dma_start3A_81 : memref<100000x32xf32, #tpu.memory_space<hbm>>) target(%dma_start3A_75 : memref<128x32xf32, #tpu.memory_space<vmem>>) offsets(%dma_start3A_78 : memref<128xi32, #tpu.memory_space<vmem>>) semaphore(%arg22 : memref<!tpu.dma_semaphore, #tpu.memory_space<semaphore_mem>>)
    %dma_start3A_82 = arith.constant 2 : i32
    %dma_start3A_83 = arith.constant 256 : i32
    %dma_start3A_84 = arith.constant 0 : i32
    %dma_start3A_85 = tpu.memref_slice %arg18[%dma_start3A_83, %dma_start3A_84] : memref<512x64xf32, #tpu.memory_space<vmem>> -> memref<128x64xf32, #tpu.memory_space<vmem>>
    %dma_start3A_86 = arith.constant 0 : i32
    %dma_start3A_87 = tpu.memref_slice %arg14[%dma_start3A_82, %dma_start3A_86] : memref<4x128xi32, #tpu.memory_space<vmem>> -> memref<1x128xi32, #tpu.memory_space<vmem>>
    %dma_start3A_88 = tpu.memref_squeeze %dma_start3A_87 : memref<1x128xi32, #tpu.memory_space<vmem>> -> memref<128xi32, #tpu.memory_space<vmem>>
    %dma_start3A_89 = arith.constant 0 : i32
    %dma_start3A_90 = arith.constant 0 : i32
    %dma_start3A_91 = tpu.memref_slice %arg6[%dma_start3A_89, %dma_start3A_90] : memref<1000000x64xf32, #tpu.memory_space<hbm>> -> memref<1000000x64xf32, #tpu.memory_space<hbm>>
    tpu.enqueue_indirect_dma source(%dma_start3A_91 : memref<1000000x64xf32, #tpu.memory_space<hbm>>) target(%dma_start3A_85 : memref<128x64xf32, #tpu.memory_space<vmem>>) offsets(%dma_start3A_88 : memref<128xi32, #tpu.memory_space<vmem>>) semaphore(%arg22 : memref<!tpu.dma_semaphore, #tpu.memory_space<semaphore_mem>>)
    %dma_start3A_92 = arith.constant 2 : i32
    %dma_start3A_93 = arith.constant 256 : i32
    %dma_start3A_94 = arith.constant 0 : i32
    %dma_start3A_95 = tpu.memref_slice %arg19[%dma_start3A_93, %dma_start3A_94] : memref<512x32xf32, #tpu.memory_space<vmem>> -> memref<128x32xf32, #tpu.memory_space<vmem>>
    %dma_start3A_96 = arith.constant 0 : i32
    %dma_start3A_97 = tpu.memref_slice %arg15[%dma_start3A_92, %dma_start3A_96] : memref<4x128xi32, #tpu.memory_space<vmem>> -> memref<1x128xi32, #tpu.memory_space<vmem>>
    %dma_start3A_98 = tpu.memref_squeeze %dma_start3A_97 : memref<1x128xi32, #tpu.memory_space<vmem>> -> memref<128xi32, #tpu.memory_space<vmem>>
    %dma_start3A_99 = arith.constant 0 : i32
    %dma_start3A_100 = arith.constant 0 : i32
    %dma_start3A_101 = tpu.memref_slice %arg7[%dma_start3A_99, %dma_start3A_100] : memref<10000x32xf32, #tpu.memory_space<hbm>> -> memref<10000x32xf32, #tpu.memory_space<hbm>>
    tpu.enqueue_indirect_dma source(%dma_start3A_101 : memref<10000x32xf32, #tpu.memory_space<hbm>>) target(%dma_start3A_95 : memref<128x32xf32, #tpu.memory_space<vmem>>) offsets(%dma_start3A_98 : memref<128xi32, #tpu.memory_space<vmem>>) semaphore(%arg22 : memref<!tpu.dma_semaphore, #tpu.memory_space<semaphore_mem>>)
    %dma_start3A_102 = arith.constant 2 : i32
    %dma_start3A_103 = arith.constant 256 : i32
    %dma_start3A_104 = arith.constant 0 : i32
    %dma_start3A_105 = tpu.memref_slice %arg20[%dma_start3A_103, %dma_start3A_104] : memref<512x16xf32, #tpu.memory_space<vmem>> -> memref<128x16xf32, #tpu.memory_space<vmem>>
    %dma_start3A_106 = arith.constant 0 : i32
    %dma_start3A_107 = tpu.memref_slice %arg16[%dma_start3A_102, %dma_start3A_106] : memref<4x128xi32, #tpu.memory_space<vmem>> -> memref<1x128xi32, #tpu.memory_space<vmem>>
    %dma_start3A_108 = tpu.memref_squeeze %dma_start3A_107 : memref<1x128xi32, #tpu.memory_space<vmem>> -> memref<128xi32, #tpu.memory_space<vmem>>
    %dma_start3A_109 = arith.constant 0 : i32
    %dma_start3A_110 = arith.constant 0 : i32
    %dma_start3A_111 = tpu.memref_slice %arg8[%dma_start3A_109, %dma_start3A_110] : memref<1000x16xf32, #tpu.memory_space<hbm>> -> memref<1000x16xf32, #tpu.memory_space<hbm>>
    tpu.enqueue_indirect_dma source(%dma_start3A_111 : memref<1000x16xf32, #tpu.memory_space<hbm>>) target(%dma_start3A_105 : memref<128x16xf32, #tpu.memory_space<vmem>>) offsets(%dma_start3A_108 : memref<128xi32, #tpu.memory_space<vmem>>) semaphore(%arg22 : memref<!tpu.dma_semaphore, #tpu.memory_space<semaphore_mem>>)
    %dma_start3A_112 = arith.constant 2 : i32
    %dma_start3A_113 = arith.constant 256 : i32
    %dma_start3A_114 = arith.constant 0 : i32
    %dma_start3A_115 = tpu.memref_slice %arg21[%dma_start3A_113, %dma_start3A_114] : memref<512x32xf32, #tpu.memory_space<vmem>> -> memref<128x32xf32, #tpu.memory_space<vmem>>
    %dma_start3A_116 = arith.constant 0 : i32
    %dma_start3A_117 = tpu.memref_slice %arg17[%dma_start3A_112, %dma_start3A_116] : memref<4x128xi32, #tpu.memory_space<vmem>> -> memref<1x128xi32, #tpu.memory_space<vmem>>
    %dma_start3A_118 = tpu.memref_squeeze %dma_start3A_117 : memref<1x128xi32, #tpu.memory_space<vmem>> -> memref<128xi32, #tpu.memory_space<vmem>>
    %dma_start3A_119 = arith.constant 0 : i32
    %dma_start3A_120 = arith.constant 0 : i32
    %dma_start3A_121 = tpu.memref_slice %arg9[%dma_start3A_119, %dma_start3A_120] : memref<100000x32xf32, #tpu.memory_space<hbm>> -> memref<100000x32xf32, #tpu.memory_space<hbm>>
    tpu.enqueue_indirect_dma source(%dma_start3A_121 : memref<100000x32xf32, #tpu.memory_space<hbm>>) target(%dma_start3A_115 : memref<128x32xf32, #tpu.memory_space<vmem>>) offsets(%dma_start3A_118 : memref<128xi32, #tpu.memory_space<vmem>>) semaphore(%arg22 : memref<!tpu.dma_semaphore, #tpu.memory_space<semaphore_mem>>)
    %dma_start3A_122 = arith.constant 3 : i32
    %dma_start3A_123 = arith.constant 384 : i32
    %dma_start3A_124 = arith.constant 0 : i32
    %dma_start3A_125 = tpu.memref_slice %arg18[%dma_start3A_123, %dma_start3A_124] : memref<512x64xf32, #tpu.memory_space<vmem>> -> memref<128x64xf32, #tpu.memory_space<vmem>>
    %dma_start3A_126 = arith.constant 0 : i32
    %dma_start3A_127 = tpu.memref_slice %arg14[%dma_start3A_122, %dma_start3A_126] : memref<4x128xi32, #tpu.memory_space<vmem>> -> memref<1x128xi32, #tpu.memory_space<vmem>>
    %dma_start3A_128 = tpu.memref_squeeze %dma_start3A_127 : memref<1x128xi32, #tpu.memory_space<vmem>> -> memref<128xi32, #tpu.memory_space<vmem>>
    %dma_start3A_129 = arith.constant 0 : i32
    %dma_start3A_130 = arith.constant 0 : i32
    %dma_start3A_131 = tpu.memref_slice %arg6[%dma_start3A_129, %dma_start3A_130] : memref<1000000x64xf32, #tpu.memory_space<hbm>> -> memref<1000000x64xf32, #tpu.memory_space<hbm>>
    tpu.enqueue_indirect_dma source(%dma_start3A_131 : memref<1000000x64xf32, #tpu.memory_space<hbm>>) target(%dma_start3A_125 : memref<128x64xf32, #tpu.memory_space<vmem>>) offsets(%dma_start3A_128 : memref<128xi32, #tpu.memory_space<vmem>>) semaphore(%arg22 : memref<!tpu.dma_semaphore, #tpu.memory_space<semaphore_mem>>)
    %dma_start3A_132 = arith.constant 3 : i32
    %dma_start3A_133 = arith.constant 384 : i32
    %dma_start3A_134 = arith.constant 0 : i32
    %dma_start3A_135 = tpu.memref_slice %arg19[%dma_start3A_133, %dma_start3A_134] : memref<512x32xf32, #tpu.memory_space<vmem>> -> memref<128x32xf32, #tpu.memory_space<vmem>>
    %dma_start3A_136 = arith.constant 0 : i32
    %dma_start3A_137 = tpu.memref_slice %arg15[%dma_start3A_132, %dma_start3A_136] : memref<4x128xi32, #tpu.memory_space<vmem>> -> memref<1x128xi32, #tpu.memory_space<vmem>>
    %dma_start3A_138 = tpu.memref_squeeze %dma_start3A_137 : memref<1x128xi32, #tpu.memory_space<vmem>> -> memref<128xi32, #tpu.memory_space<vmem>>
    %dma_start3A_139 = arith.constant 0 : i32
    %dma_start3A_140 = arith.constant 0 : i32
    %dma_start3A_141 = tpu.memref_slice %arg7[%dma_start3A_139, %dma_start3A_140] : memref<10000x32xf32, #tpu.memory_space<hbm>> -> memref<10000x32xf32, #tpu.memory_space<hbm>>
    tpu.enqueue_indirect_dma source(%dma_start3A_141 : memref<10000x32xf32, #tpu.memory_space<hbm>>) target(%dma_start3A_135 : memref<128x32xf32, #tpu.memory_space<vmem>>) offsets(%dma_start3A_138 : memref<128xi32, #tpu.memory_space<vmem>>) semaphore(%arg22 : memref<!tpu.dma_semaphore, #tpu.memory_space<semaphore_mem>>)
    %dma_start3A_142 = arith.constant 3 : i32
    %dma_start3A_143 = arith.constant 384 : i32
    %dma_start3A_144 = arith.constant 0 : i32
    %dma_start3A_145 = tpu.memref_slice %arg20[%dma_start3A_143, %dma_start3A_144] : memref<512x16xf32, #tpu.memory_space<vmem>> -> memref<128x16xf32, #tpu.memory_space<vmem>>
    %dma_start3A_146 = arith.constant 0 : i32
    %dma_start3A_147 = tpu.memref_slice %arg16[%dma_start3A_142, %dma_start3A_146] : memref<4x128xi32, #tpu.memory_space<vmem>> -> memref<1x128xi32, #tpu.memory_space<vmem>>
    %dma_start3A_148 = tpu.memref_squeeze %dma_start3A_147 : memref<1x128xi32, #tpu.memory_space<vmem>> -> memref<128xi32, #tpu.memory_space<vmem>>
    %dma_start3A_149 = arith.constant 0 : i32
    %dma_start3A_150 = arith.constant 0 : i32
    %dma_start3A_151 = tpu.memref_slice %arg8[%dma_start3A_149, %dma_start3A_150] : memref<1000x16xf32, #tpu.memory_space<hbm>> -> memref<1000x16xf32, #tpu.memory_space<hbm>>
    tpu.enqueue_indirect_dma source(%dma_start3A_151 : memref<1000x16xf32, #tpu.memory_space<hbm>>) target(%dma_start3A_145 : memref<128x16xf32, #tpu.memory_space<vmem>>) offsets(%dma_start3A_148 : memref<128xi32, #tpu.memory_space<vmem>>) semaphore(%arg22 : memref<!tpu.dma_semaphore, #tpu.memory_space<semaphore_mem>>)
    %dma_start3A_152 = arith.constant 3 : i32
    %dma_start3A_153 = arith.constant 384 : i32
    %dma_start3A_154 = arith.constant 0 : i32
    %dma_start3A_155 = tpu.memref_slice %arg21[%dma_start3A_153, %dma_start3A_154] : memref<512x32xf32, #tpu.memory_space<vmem>> -> memref<128x32xf32, #tpu.memory_space<vmem>>
    %dma_start3A_156 = arith.constant 0 : i32
    %dma_start3A_157 = tpu.memref_slice %arg17[%dma_start3A_152, %dma_start3A_156] : memref<4x128xi32, #tpu.memory_space<vmem>> -> memref<1x128xi32, #tpu.memory_space<vmem>>
    %dma_start3A_158 = tpu.memref_squeeze %dma_start3A_157 : memref<1x128xi32, #tpu.memory_space<vmem>> -> memref<128xi32, #tpu.memory_space<vmem>>
    %dma_start3A_159 = arith.constant 0 : i32
    %dma_start3A_160 = arith.constant 0 : i32
    %dma_start3A_161 = tpu.memref_slice %arg9[%dma_start3A_159, %dma_start3A_160] : memref<100000x32xf32, #tpu.memory_space<hbm>> -> memref<100000x32xf32, #tpu.memory_space<hbm>>
    tpu.enqueue_indirect_dma source(%dma_start3A_161 : memref<100000x32xf32, #tpu.memory_space<hbm>>) target(%dma_start3A_155 : memref<128x32xf32, #tpu.memory_space<vmem>>) offsets(%dma_start3A_158 : memref<128xi32, #tpu.memory_space<vmem>>) semaphore(%arg22 : memref<!tpu.dma_semaphore, #tpu.memory_space<semaphore_mem>>)
    %dma_wait3A = arith.constant 0 : i32
    %dma_wait3A_162 = arith.constant 0 : i32
    %dma_wait3A_163 = arith.constant 0 : i32
    %dma_wait3A_164 = tpu.memref_slice %arg18[%dma_wait3A_162, %dma_wait3A_163] : memref<512x64xf32, #tpu.memory_space<vmem>> -> memref<128x64xf32, #tpu.memory_space<vmem>>
    %dma_wait3A_165 = arith.constant 0 : i32
    %dma_wait3A_166 = tpu.memref_slice %arg14[%dma_wait3A, %dma_wait3A_165] : memref<4x128xi32, #tpu.memory_space<vmem>> -> memref<1x128xi32, #tpu.memory_space<vmem>>
    %dma_wait3A_167 = tpu.memref_squeeze %dma_wait3A_166 : memref<1x128xi32, #tpu.memory_space<vmem>> -> memref<128xi32, #tpu.memory_space<vmem>>
    %dma_wait3A_168 = arith.constant 0 : i32
    %dma_wait3A_169 = arith.constant 0 : i32
    %dma_wait3A_170 = tpu.memref_slice %arg6[%dma_wait3A_168, %dma_wait3A_169] : memref<1000000x64xf32, #tpu.memory_space<hbm>> -> memref<1000000x64xf32, #tpu.memory_space<hbm>>
    tpu.wait_indirect_dma semaphore(%arg22 : memref<!tpu.dma_semaphore, #tpu.memory_space<semaphore_mem>>) src(%dma_wait3A_170 : memref<1000000x64xf32, #tpu.memory_space<hbm>>) dst(%dma_wait3A_164 : memref<128x64xf32, #tpu.memory_space<vmem>>)
    %dma_wait3A_171 = arith.constant 0 : i32
    %dma_wait3A_172 = arith.constant 0 : i32
    %dma_wait3A_173 = arith.constant 0 : i32
    %dma_wait3A_174 = tpu.memref_slice %arg19[%dma_wait3A_172, %dma_wait3A_173] : memref<512x32xf32, #tpu.memory_space<vmem>> -> memref<128x32xf32, #tpu.memory_space<vmem>>
    %dma_wait3A_175 = arith.constant 0 : i32
    %dma_wait3A_176 = tpu.memref_slice %arg15[%dma_wait3A_171, %dma_wait3A_175] : memref<4x128xi32, #tpu.memory_space<vmem>> -> memref<1x128xi32, #tpu.memory_space<vmem>>
    %dma_wait3A_177 = tpu.memref_squeeze %dma_wait3A_176 : memref<1x128xi32, #tpu.memory_space<vmem>> -> memref<128xi32, #tpu.memory_space<vmem>>
    %dma_wait3A_178 = arith.constant 0 : i32
    %dma_wait3A_179 = arith.constant 0 : i32
    %dma_wait3A_180 = tpu.memref_slice %arg7[%dma_wait3A_178, %dma_wait3A_179] : memref<10000x32xf32, #tpu.memory_space<hbm>> -> memref<10000x32xf32, #tpu.memory_space<hbm>>
    tpu.wait_indirect_dma semaphore(%arg22 : memref<!tpu.dma_semaphore, #tpu.memory_space<semaphore_mem>>) src(%dma_wait3A_180 : memref<10000x32xf32, #tpu.memory_space<hbm>>) dst(%dma_wait3A_174 : memref<128x32xf32, #tpu.memory_space<vmem>>)
    %dma_wait3A_181 = arith.constant 0 : i32
    %dma_wait3A_182 = arith.constant 0 : i32
    %dma_wait3A_183 = arith.constant 0 : i32
    %dma_wait3A_184 = tpu.memref_slice %arg20[%dma_wait3A_182, %dma_wait3A_183] : memref<512x16xf32, #tpu.memory_space<vmem>> -> memref<128x16xf32, #tpu.memory_space<vmem>>
    %dma_wait3A_185 = arith.constant 0 : i32
    %dma_wait3A_186 = tpu.memref_slice %arg16[%dma_wait3A_181, %dma_wait3A_185] : memref<4x128xi32, #tpu.memory_space<vmem>> -> memref<1x128xi32, #tpu.memory_space<vmem>>
    %dma_wait3A_187 = tpu.memref_squeeze %dma_wait3A_186 : memref<1x128xi32, #tpu.memory_space<vmem>> -> memref<128xi32, #tpu.memory_space<vmem>>
    %dma_wait3A_188 = arith.constant 0 : i32
    %dma_wait3A_189 = arith.constant 0 : i32
    %dma_wait3A_190 = tpu.memref_slice %arg8[%dma_wait3A_188, %dma_wait3A_189] : memref<1000x16xf32, #tpu.memory_space<hbm>> -> memref<1000x16xf32, #tpu.memory_space<hbm>>
    tpu.wait_indirect_dma semaphore(%arg22 : memref<!tpu.dma_semaphore, #tpu.memory_space<semaphore_mem>>) src(%dma_wait3A_190 : memref<1000x16xf32, #tpu.memory_space<hbm>>) dst(%dma_wait3A_184 : memref<128x16xf32, #tpu.memory_space<vmem>>)
    %dma_wait3A_191 = arith.constant 0 : i32
    %dma_wait3A_192 = arith.constant 0 : i32
    %dma_wait3A_193 = arith.constant 0 : i32
    %dma_wait3A_194 = tpu.memref_slice %arg21[%dma_wait3A_192, %dma_wait3A_193] : memref<512x32xf32, #tpu.memory_space<vmem>> -> memref<128x32xf32, #tpu.memory_space<vmem>>
    %dma_wait3A_195 = arith.constant 0 : i32
    %dma_wait3A_196 = tpu.memref_slice %arg17[%dma_wait3A_191, %dma_wait3A_195] : memref<4x128xi32, #tpu.memory_space<vmem>> -> memref<1x128xi32, #tpu.memory_space<vmem>>
    %dma_wait3A_197 = tpu.memref_squeeze %dma_wait3A_196 : memref<1x128xi32, #tpu.memory_space<vmem>> -> memref<128xi32, #tpu.memory_space<vmem>>
    %dma_wait3A_198 = arith.constant 0 : i32
    %dma_wait3A_199 = arith.constant 0 : i32
    %dma_wait3A_200 = tpu.memref_slice %arg9[%dma_wait3A_198, %dma_wait3A_199] : memref<100000x32xf32, #tpu.memory_space<hbm>> -> memref<100000x32xf32, #tpu.memory_space<hbm>>
    tpu.wait_indirect_dma semaphore(%arg22 : memref<!tpu.dma_semaphore, #tpu.memory_space<semaphore_mem>>) src(%dma_wait3A_200 : memref<100000x32xf32, #tpu.memory_space<hbm>>) dst(%dma_wait3A_194 : memref<128x32xf32, #tpu.memory_space<vmem>>)
    %dma_wait3A_201 = arith.constant 1 : i32
    %dma_wait3A_202 = arith.constant 128 : i32
    %dma_wait3A_203 = arith.constant 0 : i32
    %dma_wait3A_204 = tpu.memref_slice %arg18[%dma_wait3A_202, %dma_wait3A_203] : memref<512x64xf32, #tpu.memory_space<vmem>> -> memref<128x64xf32, #tpu.memory_space<vmem>>
    %dma_wait3A_205 = arith.constant 0 : i32
    %dma_wait3A_206 = tpu.memref_slice %arg14[%dma_wait3A_201, %dma_wait3A_205] : memref<4x128xi32, #tpu.memory_space<vmem>> -> memref<1x128xi32, #tpu.memory_space<vmem>>
    %dma_wait3A_207 = tpu.memref_squeeze %dma_wait3A_206 : memref<1x128xi32, #tpu.memory_space<vmem>> -> memref<128xi32, #tpu.memory_space<vmem>>
    %dma_wait3A_208 = arith.constant 0 : i32
    %dma_wait3A_209 = arith.constant 0 : i32
    %dma_wait3A_210 = tpu.memref_slice %arg6[%dma_wait3A_208, %dma_wait3A_209] : memref<1000000x64xf32, #tpu.memory_space<hbm>> -> memref<1000000x64xf32, #tpu.memory_space<hbm>>
    tpu.wait_indirect_dma semaphore(%arg22 : memref<!tpu.dma_semaphore, #tpu.memory_space<semaphore_mem>>) src(%dma_wait3A_210 : memref<1000000x64xf32, #tpu.memory_space<hbm>>) dst(%dma_wait3A_204 : memref<128x64xf32, #tpu.memory_space<vmem>>)
    %dma_wait3A_211 = arith.constant 1 : i32
    %dma_wait3A_212 = arith.constant 128 : i32
    %dma_wait3A_213 = arith.constant 0 : i32
    %dma_wait3A_214 = tpu.memref_slice %arg19[%dma_wait3A_212, %dma_wait3A_213] : memref<512x32xf32, #tpu.memory_space<vmem>> -> memref<128x32xf32, #tpu.memory_space<vmem>>
    %dma_wait3A_215 = arith.constant 0 : i32
    %dma_wait3A_216 = tpu.memref_slice %arg15[%dma_wait3A_211, %dma_wait3A_215] : memref<4x128xi32, #tpu.memory_space<vmem>> -> memref<1x128xi32, #tpu.memory_space<vmem>>
    %dma_wait3A_217 = tpu.memref_squeeze %dma_wait3A_216 : memref<1x128xi32, #tpu.memory_space<vmem>> -> memref<128xi32, #tpu.memory_space<vmem>>
    %dma_wait3A_218 = arith.constant 0 : i32
    %dma_wait3A_219 = arith.constant 0 : i32
    %dma_wait3A_220 = tpu.memref_slice %arg7[%dma_wait3A_218, %dma_wait3A_219] : memref<10000x32xf32, #tpu.memory_space<hbm>> -> memref<10000x32xf32, #tpu.memory_space<hbm>>
    tpu.wait_indirect_dma semaphore(%arg22 : memref<!tpu.dma_semaphore, #tpu.memory_space<semaphore_mem>>) src(%dma_wait3A_220 : memref<10000x32xf32, #tpu.memory_space<hbm>>) dst(%dma_wait3A_214 : memref<128x32xf32, #tpu.memory_space<vmem>>)
    %dma_wait3A_221 = arith.constant 1 : i32
    %dma_wait3A_222 = arith.constant 128 : i32
    %dma_wait3A_223 = arith.constant 0 : i32
    %dma_wait3A_224 = tpu.memref_slice %arg20[%dma_wait3A_222, %dma_wait3A_223] : memref<512x16xf32, #tpu.memory_space<vmem>> -> memref<128x16xf32, #tpu.memory_space<vmem>>
    %dma_wait3A_225 = arith.constant 0 : i32
    %dma_wait3A_226 = tpu.memref_slice %arg16[%dma_wait3A_221, %dma_wait3A_225] : memref<4x128xi32, #tpu.memory_space<vmem>> -> memref<1x128xi32, #tpu.memory_space<vmem>>
    %dma_wait3A_227 = tpu.memref_squeeze %dma_wait3A_226 : memref<1x128xi32, #tpu.memory_space<vmem>> -> memref<128xi32, #tpu.memory_space<vmem>>
    %dma_wait3A_228 = arith.constant 0 : i32
    %dma_wait3A_229 = arith.constant 0 : i32
    %dma_wait3A_230 = tpu.memref_slice %arg8[%dma_wait3A_228, %dma_wait3A_229] : memref<1000x16xf32, #tpu.memory_space<hbm>> -> memref<1000x16xf32, #tpu.memory_space<hbm>>
    tpu.wait_indirect_dma semaphore(%arg22 : memref<!tpu.dma_semaphore, #tpu.memory_space<semaphore_mem>>) src(%dma_wait3A_230 : memref<1000x16xf32, #tpu.memory_space<hbm>>) dst(%dma_wait3A_224 : memref<128x16xf32, #tpu.memory_space<vmem>>)
    %dma_wait3A_231 = arith.constant 1 : i32
    %dma_wait3A_232 = arith.constant 128 : i32
    %dma_wait3A_233 = arith.constant 0 : i32
    %dma_wait3A_234 = tpu.memref_slice %arg21[%dma_wait3A_232, %dma_wait3A_233] : memref<512x32xf32, #tpu.memory_space<vmem>> -> memref<128x32xf32, #tpu.memory_space<vmem>>
    %dma_wait3A_235 = arith.constant 0 : i32
    %dma_wait3A_236 = tpu.memref_slice %arg17[%dma_wait3A_231, %dma_wait3A_235] : memref<4x128xi32, #tpu.memory_space<vmem>> -> memref<1x128xi32, #tpu.memory_space<vmem>>
    %dma_wait3A_237 = tpu.memref_squeeze %dma_wait3A_236 : memref<1x128xi32, #tpu.memory_space<vmem>> -> memref<128xi32, #tpu.memory_space<vmem>>
    %dma_wait3A_238 = arith.constant 0 : i32
    %dma_wait3A_239 = arith.constant 0 : i32
    %dma_wait3A_240 = tpu.memref_slice %arg9[%dma_wait3A_238, %dma_wait3A_239] : memref<100000x32xf32, #tpu.memory_space<hbm>> -> memref<100000x32xf32, #tpu.memory_space<hbm>>
    tpu.wait_indirect_dma semaphore(%arg22 : memref<!tpu.dma_semaphore, #tpu.memory_space<semaphore_mem>>) src(%dma_wait3A_240 : memref<100000x32xf32, #tpu.memory_space<hbm>>) dst(%dma_wait3A_234 : memref<128x32xf32, #tpu.memory_space<vmem>>)
    %dma_wait3A_241 = arith.constant 2 : i32
    %dma_wait3A_242 = arith.constant 256 : i32
    %dma_wait3A_243 = arith.constant 0 : i32
    %dma_wait3A_244 = tpu.memref_slice %arg18[%dma_wait3A_242, %dma_wait3A_243] : memref<512x64xf32, #tpu.memory_space<vmem>> -> memref<128x64xf32, #tpu.memory_space<vmem>>
    %dma_wait3A_245 = arith.constant 0 : i32
    %dma_wait3A_246 = tpu.memref_slice %arg14[%dma_wait3A_241, %dma_wait3A_245] : memref<4x128xi32, #tpu.memory_space<vmem>> -> memref<1x128xi32, #tpu.memory_space<vmem>>
    %dma_wait3A_247 = tpu.memref_squeeze %dma_wait3A_246 : memref<1x128xi32, #tpu.memory_space<vmem>> -> memref<128xi32, #tpu.memory_space<vmem>>
    %dma_wait3A_248 = arith.constant 0 : i32
    %dma_wait3A_249 = arith.constant 0 : i32
    %dma_wait3A_250 = tpu.memref_slice %arg6[%dma_wait3A_248, %dma_wait3A_249] : memref<1000000x64xf32, #tpu.memory_space<hbm>> -> memref<1000000x64xf32, #tpu.memory_space<hbm>>
    tpu.wait_indirect_dma semaphore(%arg22 : memref<!tpu.dma_semaphore, #tpu.memory_space<semaphore_mem>>) src(%dma_wait3A_250 : memref<1000000x64xf32, #tpu.memory_space<hbm>>) dst(%dma_wait3A_244 : memref<128x64xf32, #tpu.memory_space<vmem>>)
    %dma_wait3A_251 = arith.constant 2 : i32
    %dma_wait3A_252 = arith.constant 256 : i32
    %dma_wait3A_253 = arith.constant 0 : i32
    %dma_wait3A_254 = tpu.memref_slice %arg19[%dma_wait3A_252, %dma_wait3A_253] : memref<512x32xf32, #tpu.memory_space<vmem>> -> memref<128x32xf32, #tpu.memory_space<vmem>>
    %dma_wait3A_255 = arith.constant 0 : i32
    %dma_wait3A_256 = tpu.memref_slice %arg15[%dma_wait3A_251, %dma_wait3A_255] : memref<4x128xi32, #tpu.memory_space<vmem>> -> memref<1x128xi32, #tpu.memory_space<vmem>>
    %dma_wait3A_257 = tpu.memref_squeeze %dma_wait3A_256 : memref<1x128xi32, #tpu.memory_space<vmem>> -> memref<128xi32, #tpu.memory_space<vmem>>
    %dma_wait3A_258 = arith.constant 0 : i32
    %dma_wait3A_259 = arith.constant 0 : i32
    %dma_wait3A_260 = tpu.memref_slice %arg7[%dma_wait3A_258, %dma_wait3A_259] : memref<10000x32xf32, #tpu.memory_space<hbm>> -> memref<10000x32xf32, #tpu.memory_space<hbm>>
    tpu.wait_indirect_dma semaphore(%arg22 : memref<!tpu.dma_semaphore, #tpu.memory_space<semaphore_mem>>) src(%dma_wait3A_260 : memref<10000x32xf32, #tpu.memory_space<hbm>>) dst(%dma_wait3A_254 : memref<128x32xf32, #tpu.memory_space<vmem>>)
    %dma_wait3A_261 = arith.constant 2 : i32
    %dma_wait3A_262 = arith.constant 256 : i32
    %dma_wait3A_263 = arith.constant 0 : i32
    %dma_wait3A_264 = tpu.memref_slice %arg20[%dma_wait3A_262, %dma_wait3A_263] : memref<512x16xf32, #tpu.memory_space<vmem>> -> memref<128x16xf32, #tpu.memory_space<vmem>>
    %dma_wait3A_265 = arith.constant 0 : i32
    %dma_wait3A_266 = tpu.memref_slice %arg16[%dma_wait3A_261, %dma_wait3A_265] : memref<4x128xi32, #tpu.memory_space<vmem>> -> memref<1x128xi32, #tpu.memory_space<vmem>>
    %dma_wait3A_267 = tpu.memref_squeeze %dma_wait3A_266 : memref<1x128xi32, #tpu.memory_space<vmem>> -> memref<128xi32, #tpu.memory_space<vmem>>
    %dma_wait3A_268 = arith.constant 0 : i32
    %dma_wait3A_269 = arith.constant 0 : i32
    %dma_wait3A_270 = tpu.memref_slice %arg8[%dma_wait3A_268, %dma_wait3A_269] : memref<1000x16xf32, #tpu.memory_space<hbm>> -> memref<1000x16xf32, #tpu.memory_space<hbm>>
    tpu.wait_indirect_dma semaphore(%arg22 : memref<!tpu.dma_semaphore, #tpu.memory_space<semaphore_mem>>) src(%dma_wait3A_270 : memref<1000x16xf32, #tpu.memory_space<hbm>>) dst(%dma_wait3A_264 : memref<128x16xf32, #tpu.memory_space<vmem>>)
    %dma_wait3A_271 = arith.constant 2 : i32
    %dma_wait3A_272 = arith.constant 256 : i32
    %dma_wait3A_273 = arith.constant 0 : i32
    %dma_wait3A_274 = tpu.memref_slice %arg21[%dma_wait3A_272, %dma_wait3A_273] : memref<512x32xf32, #tpu.memory_space<vmem>> -> memref<128x32xf32, #tpu.memory_space<vmem>>
    %dma_wait3A_275 = arith.constant 0 : i32
    %dma_wait3A_276 = tpu.memref_slice %arg17[%dma_wait3A_271, %dma_wait3A_275] : memref<4x128xi32, #tpu.memory_space<vmem>> -> memref<1x128xi32, #tpu.memory_space<vmem>>
    %dma_wait3A_277 = tpu.memref_squeeze %dma_wait3A_276 : memref<1x128xi32, #tpu.memory_space<vmem>> -> memref<128xi32, #tpu.memory_space<vmem>>
    %dma_wait3A_278 = arith.constant 0 : i32
    %dma_wait3A_279 = arith.constant 0 : i32
    %dma_wait3A_280 = tpu.memref_slice %arg9[%dma_wait3A_278, %dma_wait3A_279] : memref<100000x32xf32, #tpu.memory_space<hbm>> -> memref<100000x32xf32, #tpu.memory_space<hbm>>
    tpu.wait_indirect_dma semaphore(%arg22 : memref<!tpu.dma_semaphore, #tpu.memory_space<semaphore_mem>>) src(%dma_wait3A_280 : memref<100000x32xf32, #tpu.memory_space<hbm>>) dst(%dma_wait3A_274 : memref<128x32xf32, #tpu.memory_space<vmem>>)
    %dma_wait3A_281 = arith.constant 3 : i32
    %dma_wait3A_282 = arith.constant 384 : i32
    %dma_wait3A_283 = arith.constant 0 : i32
    %dma_wait3A_284 = tpu.memref_slice %arg18[%dma_wait3A_282, %dma_wait3A_283] : memref<512x64xf32, #tpu.memory_space<vmem>> -> memref<128x64xf32, #tpu.memory_space<vmem>>
    %dma_wait3A_285 = arith.constant 0 : i32
    %dma_wait3A_286 = tpu.memref_slice %arg14[%dma_wait3A_281, %dma_wait3A_285] : memref<4x128xi32, #tpu.memory_space<vmem>> -> memref<1x128xi32, #tpu.memory_space<vmem>>
    %dma_wait3A_287 = tpu.memref_squeeze %dma_wait3A_286 : memref<1x128xi32, #tpu.memory_space<vmem>> -> memref<128xi32, #tpu.memory_space<vmem>>
    %dma_wait3A_288 = arith.constant 0 : i32
    %dma_wait3A_289 = arith.constant 0 : i32
    %dma_wait3A_290 = tpu.memref_slice %arg6[%dma_wait3A_288, %dma_wait3A_289] : memref<1000000x64xf32, #tpu.memory_space<hbm>> -> memref<1000000x64xf32, #tpu.memory_space<hbm>>
    tpu.wait_indirect_dma semaphore(%arg22 : memref<!tpu.dma_semaphore, #tpu.memory_space<semaphore_mem>>) src(%dma_wait3A_290 : memref<1000000x64xf32, #tpu.memory_space<hbm>>) dst(%dma_wait3A_284 : memref<128x64xf32, #tpu.memory_space<vmem>>)
    %dma_wait3A_291 = arith.constant 3 : i32
    %dma_wait3A_292 = arith.constant 384 : i32
    %dma_wait3A_293 = arith.constant 0 : i32
    %dma_wait3A_294 = tpu.memref_slice %arg19[%dma_wait3A_292, %dma_wait3A_293] : memref<512x32xf32, #tpu.memory_space<vmem>> -> memref<128x32xf32, #tpu.memory_space<vmem>>
    %dma_wait3A_295 = arith.constant 0 : i32
    %dma_wait3A_296 = tpu.memref_slice %arg15[%dma_wait3A_291, %dma_wait3A_295] : memref<4x128xi32, #tpu.memory_space<vmem>> -> memref<1x128xi32, #tpu.memory_space<vmem>>
    %dma_wait3A_297 = tpu.memref_squeeze %dma_wait3A_296 : memref<1x128xi32, #tpu.memory_space<vmem>> -> memref<128xi32, #tpu.memory_space<vmem>>
    %dma_wait3A_298 = arith.constant 0 : i32
    %dma_wait3A_299 = arith.constant 0 : i32
    %dma_wait3A_300 = tpu.memref_slice %arg7[%dma_wait3A_298, %dma_wait3A_299] : memref<10000x32xf32, #tpu.memory_space<hbm>> -> memref<10000x32xf32, #tpu.memory_space<hbm>>
    tpu.wait_indirect_dma semaphore(%arg22 : memref<!tpu.dma_semaphore, #tpu.memory_space<semaphore_mem>>) src(%dma_wait3A_300 : memref<10000x32xf32, #tpu.memory_space<hbm>>) dst(%dma_wait3A_294 : memref<128x32xf32, #tpu.memory_space<vmem>>)
    %dma_wait3A_301 = arith.constant 3 : i32
    %dma_wait3A_302 = arith.constant 384 : i32
    %dma_wait3A_303 = arith.constant 0 : i32
    %dma_wait3A_304 = tpu.memref_slice %arg20[%dma_wait3A_302, %dma_wait3A_303] : memref<512x16xf32, #tpu.memory_space<vmem>> -> memref<128x16xf32, #tpu.memory_space<vmem>>
    %dma_wait3A_305 = arith.constant 0 : i32
    %dma_wait3A_306 = tpu.memref_slice %arg16[%dma_wait3A_301, %dma_wait3A_305] : memref<4x128xi32, #tpu.memory_space<vmem>> -> memref<1x128xi32, #tpu.memory_space<vmem>>
    %dma_wait3A_307 = tpu.memref_squeeze %dma_wait3A_306 : memref<1x128xi32, #tpu.memory_space<vmem>> -> memref<128xi32, #tpu.memory_space<vmem>>
    %dma_wait3A_308 = arith.constant 0 : i32
    %dma_wait3A_309 = arith.constant 0 : i32
    %dma_wait3A_310 = tpu.memref_slice %arg8[%dma_wait3A_308, %dma_wait3A_309] : memref<1000x16xf32, #tpu.memory_space<hbm>> -> memref<1000x16xf32, #tpu.memory_space<hbm>>
    tpu.wait_indirect_dma semaphore(%arg22 : memref<!tpu.dma_semaphore, #tpu.memory_space<semaphore_mem>>) src(%dma_wait3A_310 : memref<1000x16xf32, #tpu.memory_space<hbm>>) dst(%dma_wait3A_304 : memref<128x16xf32, #tpu.memory_space<vmem>>)
    %dma_wait3A_311 = arith.constant 3 : i32
    %dma_wait3A_312 = arith.constant 384 : i32
    %dma_wait3A_313 = arith.constant 0 : i32
    %dma_wait3A_314 = tpu.memref_slice %arg21[%dma_wait3A_312, %dma_wait3A_313] : memref<512x32xf32, #tpu.memory_space<vmem>> -> memref<128x32xf32, #tpu.memory_space<vmem>>
    %dma_wait3A_315 = arith.constant 0 : i32
    %dma_wait3A_316 = tpu.memref_slice %arg17[%dma_wait3A_311, %dma_wait3A_315] : memref<4x128xi32, #tpu.memory_space<vmem>> -> memref<1x128xi32, #tpu.memory_space<vmem>>
    %dma_wait3A_317 = tpu.memref_squeeze %dma_wait3A_316 : memref<1x128xi32, #tpu.memory_space<vmem>> -> memref<128xi32, #tpu.memory_space<vmem>>
    %dma_wait3A_318 = arith.constant 0 : i32
    %dma_wait3A_319 = arith.constant 0 : i32
    %dma_wait3A_320 = tpu.memref_slice %arg9[%dma_wait3A_318, %dma_wait3A_319] : memref<100000x32xf32, #tpu.memory_space<hbm>> -> memref<100000x32xf32, #tpu.memory_space<hbm>>
    tpu.wait_indirect_dma semaphore(%arg22 : memref<!tpu.dma_semaphore, #tpu.memory_space<semaphore_mem>>) src(%dma_wait3A_320 : memref<100000x32xf32, #tpu.memory_space<hbm>>) dst(%dma_wait3A_314 : memref<128x32xf32, #tpu.memory_space<vmem>>)
    %mul3A_321 = arith.constant 512 : i32
    %mul3A_322 = arith.muli %add3A, %mul3A_321 : i32
    "tpu.region"() ({
      %run_scoped3A = tpu.sem_alloc : memref<!tpu.dma_semaphore, #tpu.memory_space<semaphore_mem>>
      %dma_start3A_323 = arith.constant 0 : i32
      %dma_start3A_324 = tpu.memref_slice %arg10[%mul3A_322, %dma_start3A_323] : memref<16384x64xf32, #tpu.memory_space<hbm>> -> memref<512x64xf32, #tpu.memory_space<hbm>>
      %dma_start3A_325 = arith.constant 0 : i32
      %dma_start3A_326 = tpu.memref_slice %arg10[%mul3A_322, %dma_start3A_325] : memref<16384x64xf32, #tpu.memory_space<hbm>> -> memref<512x64xf32, #tpu.memory_space<hbm>>
      tpu.enqueue_dma source(%arg18 : memref<512x64xf32, #tpu.memory_space<vmem>>) target(%dma_start3A_326 : memref<512x64xf32, #tpu.memory_space<hbm>>) target_semaphore(%run_scoped3A : memref<!tpu.dma_semaphore, #tpu.memory_space<semaphore_mem>>)
      %dma_wait3A_327 = arith.constant 0 : i32
      %dma_wait3A_328 = tpu.memref_slice %arg10[%mul3A_322, %dma_wait3A_327] : memref<16384x64xf32, #tpu.memory_space<hbm>> -> memref<512x64xf32, #tpu.memory_space<hbm>>
      %dma_wait3A_329 = arith.constant 0 : i32
      %dma_wait3A_330 = tpu.memref_slice %arg10[%mul3A_322, %dma_wait3A_329] : memref<16384x64xf32, #tpu.memory_space<hbm>> -> memref<512x64xf32, #tpu.memory_space<hbm>>
      tpu.wait_dma2 semaphore(%run_scoped3A : memref<!tpu.dma_semaphore, #tpu.memory_space<semaphore_mem>>) src(%arg18 : memref<512x64xf32, #tpu.memory_space<vmem>>) dst(%dma_wait3A_330 : memref<512x64xf32, #tpu.memory_space<hbm>>)
      tpu.yield
    }) : () -> ()
    "tpu.region"() ({
      %run_scoped3A = tpu.sem_alloc : memref<!tpu.dma_semaphore, #tpu.memory_space<semaphore_mem>>
      %dma_start3A_323 = arith.constant 0 : i32
      %dma_start3A_324 = tpu.memref_slice %arg11[%mul3A_322, %dma_start3A_323] : memref<16384x32xf32, #tpu.memory_space<hbm>> -> memref<512x32xf32, #tpu.memory_space<hbm>>
      %dma_start3A_325 = arith.constant 0 : i32
      %dma_start3A_326 = tpu.memref_slice %arg11[%mul3A_322, %dma_start3A_325] : memref<16384x32xf32, #tpu.memory_space<hbm>> -> memref<512x32xf32, #tpu.memory_space<hbm>>
      tpu.enqueue_dma source(%arg19 : memref<512x32xf32, #tpu.memory_space<vmem>>) target(%dma_start3A_326 : memref<512x32xf32, #tpu.memory_space<hbm>>) target_semaphore(%run_scoped3A : memref<!tpu.dma_semaphore, #tpu.memory_space<semaphore_mem>>)
      %dma_wait3A_327 = arith.constant 0 : i32
      %dma_wait3A_328 = tpu.memref_slice %arg11[%mul3A_322, %dma_wait3A_327] : memref<16384x32xf32, #tpu.memory_space<hbm>> -> memref<512x32xf32, #tpu.memory_space<hbm>>
      %dma_wait3A_329 = arith.constant 0 : i32
      %dma_wait3A_330 = tpu.memref_slice %arg11[%mul3A_322, %dma_wait3A_329] : memref<16384x32xf32, #tpu.memory_space<hbm>> -> memref<512x32xf32, #tpu.memory_space<hbm>>
      tpu.wait_dma2 semaphore(%run_scoped3A : memref<!tpu.dma_semaphore, #tpu.memory_space<semaphore_mem>>) src(%arg19 : memref<512x32xf32, #tpu.memory_space<vmem>>) dst(%dma_wait3A_330 : memref<512x32xf32, #tpu.memory_space<hbm>>)
      tpu.yield
    }) : () -> ()
    "tpu.region"() ({
      %run_scoped3A = tpu.sem_alloc : memref<!tpu.dma_semaphore, #tpu.memory_space<semaphore_mem>>
      %dma_start3A_323 = arith.constant 0 : i32
      %dma_start3A_324 = tpu.memref_slice %arg12[%mul3A_322, %dma_start3A_323] : memref<16384x16xf32, #tpu.memory_space<hbm>> -> memref<512x16xf32, #tpu.memory_space<hbm>>
      %dma_start3A_325 = arith.constant 0 : i32
      %dma_start3A_326 = tpu.memref_slice %arg12[%mul3A_322, %dma_start3A_325] : memref<16384x16xf32, #tpu.memory_space<hbm>> -> memref<512x16xf32, #tpu.memory_space<hbm>>
      tpu.enqueue_dma source(%arg20 : memref<512x16xf32, #tpu.memory_space<vmem>>) target(%dma_start3A_326 : memref<512x16xf32, #tpu.memory_space<hbm>>) target_semaphore(%run_scoped3A : memref<!tpu.dma_semaphore, #tpu.memory_space<semaphore_mem>>)
      %dma_wait3A_327 = arith.constant 0 : i32
      %dma_wait3A_328 = tpu.memref_slice %arg12[%mul3A_322, %dma_wait3A_327] : memref<16384x16xf32, #tpu.memory_space<hbm>> -> memref<512x16xf32, #tpu.memory_space<hbm>>
      %dma_wait3A_329 = arith.constant 0 : i32
      %dma_wait3A_330 = tpu.memref_slice %arg12[%mul3A_322, %dma_wait3A_329] : memref<16384x16xf32, #tpu.memory_space<hbm>> -> memref<512x16xf32, #tpu.memory_space<hbm>>
      tpu.wait_dma2 semaphore(%run_scoped3A : memref<!tpu.dma_semaphore, #tpu.memory_space<semaphore_mem>>) src(%arg20 : memref<512x16xf32, #tpu.memory_space<vmem>>) dst(%dma_wait3A_330 : memref<512x16xf32, #tpu.memory_space<hbm>>)
      tpu.yield
    }) : () -> ()
    "tpu.region"() ({
      %run_scoped3A = tpu.sem_alloc : memref<!tpu.dma_semaphore, #tpu.memory_space<semaphore_mem>>
      %dma_start3A_323 = arith.constant 0 : i32
      %dma_start3A_324 = tpu.memref_slice %arg13[%mul3A_322, %dma_start3A_323] : memref<16384x32xf32, #tpu.memory_space<hbm>> -> memref<512x32xf32, #tpu.memory_space<hbm>>
      %dma_start3A_325 = arith.constant 0 : i32
      %dma_start3A_326 = tpu.memref_slice %arg13[%mul3A_322, %dma_start3A_325] : memref<16384x32xf32, #tpu.memory_space<hbm>> -> memref<512x32xf32, #tpu.memory_space<hbm>>
      tpu.enqueue_dma source(%arg21 : memref<512x32xf32, #tpu.memory_space<vmem>>) target(%dma_start3A_326 : memref<512x32xf32, #tpu.memory_space<hbm>>) target_semaphore(%run_scoped3A : memref<!tpu.dma_semaphore, #tpu.memory_space<semaphore_mem>>)
      %dma_wait3A_327 = arith.constant 0 : i32
      %dma_wait3A_328 = tpu.memref_slice %arg13[%mul3A_322, %dma_wait3A_327] : memref<16384x32xf32, #tpu.memory_space<hbm>> -> memref<512x32xf32, #tpu.memory_space<hbm>>
      %dma_wait3A_329 = arith.constant 0 : i32
      %dma_wait3A_330 = tpu.memref_slice %arg13[%mul3A_322, %dma_wait3A_329] : memref<16384x32xf32, #tpu.memory_space<hbm>> -> memref<512x32xf32, #tpu.memory_space<hbm>>
      tpu.wait_dma2 semaphore(%run_scoped3A : memref<!tpu.dma_semaphore, #tpu.memory_space<semaphore_mem>>) src(%arg21 : memref<512x32xf32, #tpu.memory_space<vmem>>) dst(%dma_wait3A_330 : memref<512x32xf32, #tpu.memory_space<hbm>>)
      tpu.yield
    }) : () -> ()
    return
  }
}

module attributes {stable_mosaic.version = 14 : i64} {
  func.func @_mlp_body(%arg0: i32, %arg1: memref<1024x64xf32, #tpu.memory_space<vmem>>, %arg2: memref<1024x32xf32, #tpu.memory_space<vmem>>, %arg3: memref<1024x16xf32, #tpu.memory_space<vmem>>, %arg4: memref<1024x32xf32, #tpu.memory_space<vmem>>, %arg5: memref<1024x34xf32, #tpu.memory_space<vmem>>, %arg6: memref<64x256xf32, #tpu.memory_space<vmem>>, %arg7: memref<32x256xf32, #tpu.memory_space<vmem>>, %arg8: memref<16x256xf32, #tpu.memory_space<vmem>>, %arg9: memref<32x256xf32, #tpu.memory_space<vmem>>, %arg10: memref<34x256xf32, #tpu.memory_space<vmem>>, %arg11: memref<1x256xf32, #tpu.memory_space<vmem>>, %arg12: memref<256x64xf32, #tpu.memory_space<vmem>>, %arg13: memref<1x64xf32, #tpu.memory_space<vmem>>, %arg14: memref<1024x64xf32, #tpu.memory_space<vmem>>) attributes {dimension_semantics = [#tpu.dimension_semantics<arbitrary>], iteration_bounds = array<i64: 16>, scalar_prefetch = 0 : i64, scratch_operands = 0 : i64, tpu.core_type = #tpu.core_type<tc>, window_params = [{transform_indices = @transform_0, window_bounds = array<i64: 1024, 64>}, {transform_indices = @transform_1, window_bounds = array<i64: 1024, 32>}, {transform_indices = @transform_2, window_bounds = array<i64: 1024, 16>}, {transform_indices = @transform_3, window_bounds = array<i64: 1024, 32>}, {transform_indices = @transform_4, window_bounds = array<i64: 1024, 34>}, {pipeline_mode = #tpu.pipeline_mode<synchronous>, transform_indices = @transform_5, window_bounds = array<i64: 64, 256>}, {pipeline_mode = #tpu.pipeline_mode<synchronous>, transform_indices = @transform_6, window_bounds = array<i64: 32, 256>}, {pipeline_mode = #tpu.pipeline_mode<synchronous>, transform_indices = @transform_7, window_bounds = array<i64: 16, 256>}, {pipeline_mode = #tpu.pipeline_mode<synchronous>, transform_indices = @transform_8, window_bounds = array<i64: 32, 256>}, {pipeline_mode = #tpu.pipeline_mode<synchronous>, transform_indices = @transform_9, window_bounds = array<i64: 34, 256>}, {pipeline_mode = #tpu.pipeline_mode<synchronous>, transform_indices = @transform_10, window_bounds = array<i64: 1, 256>}, {pipeline_mode = #tpu.pipeline_mode<synchronous>, transform_indices = @transform_11, window_bounds = array<i64: 256, 64>}, {pipeline_mode = #tpu.pipeline_mode<synchronous>, transform_indices = @transform_12, window_bounds = array<i64: 1, 64>}, {transform_indices = @transform_13, window_bounds = array<i64: 1024, 64>}]} {
    %get3A = arith.constant 0 : index
    %get3A_0 = arith.constant 0 : index
    %get3A_1 = vector.load %arg1[%get3A, %get3A_0] : memref<1024x64xf32, #tpu.memory_space<vmem>>, vector<1024x64xf32>
    %get3A_2 = arith.constant 0 : index
    %get3A_3 = arith.constant 0 : index
    %get3A_4 = vector.load %arg6[%get3A_2, %get3A_3] : memref<64x256xf32, #tpu.memory_space<vmem>>, vector<64x256xf32>
    %dot_general3A = arith.constant dense<0.000000e+00> : vector<1024x256xf32>
    %dot_general3A_5 = tpu.matmul %get3A_1, %get3A_4, %dot_general3A {dimension_numbers = #tpu.dot_dimension_numbers<[1], [0], [0], [1], [0, 0, 1, 1], [], []>, transpose_lhs_hint = false} : vector<1024x64xf32>, vector<64x256xf32>, vector<1024x256xf32> -> vector<1024x256xf32>
    %get3A_6 = arith.constant 0 : index
    %get3A_7 = arith.constant 0 : index
    %get3A_8 = vector.load %arg2[%get3A_6, %get3A_7] : memref<1024x32xf32, #tpu.memory_space<vmem>>, vector<1024x32xf32>
    %get3A_9 = arith.constant 0 : index
    %get3A_10 = arith.constant 0 : index
    %get3A_11 = vector.load %arg7[%get3A_9, %get3A_10] : memref<32x256xf32, #tpu.memory_space<vmem>>, vector<32x256xf32>
    %dot_general3A_12 = arith.constant dense<0.000000e+00> : vector<1024x256xf32>
    %dot_general3A_13 = tpu.matmul %get3A_8, %get3A_11, %dot_general3A_12 {dimension_numbers = #tpu.dot_dimension_numbers<[1], [0], [0], [1], [0, 0, 1, 1], [], []>, transpose_lhs_hint = false} : vector<1024x32xf32>, vector<32x256xf32>, vector<1024x256xf32> -> vector<1024x256xf32>
    %add3A = arith.addf %dot_general3A_5, %dot_general3A_13 : vector<1024x256xf32>
    %get3A_14 = arith.constant 0 : index
    %get3A_15 = arith.constant 0 : index
    %get3A_16 = vector.load %arg3[%get3A_14, %get3A_15] : memref<1024x16xf32, #tpu.memory_space<vmem>>, vector<1024x16xf32>
    %get3A_17 = arith.constant 0 : index
    %get3A_18 = arith.constant 0 : index
    %get3A_19 = vector.load %arg8[%get3A_17, %get3A_18] : memref<16x256xf32, #tpu.memory_space<vmem>>, vector<16x256xf32>
    %dot_general3A_20 = arith.constant dense<0.000000e+00> : vector<1024x256xf32>
    %dot_general3A_21 = tpu.matmul %get3A_16, %get3A_19, %dot_general3A_20 {dimension_numbers = #tpu.dot_dimension_numbers<[1], [0], [0], [1], [0, 0, 1, 1], [], []>, transpose_lhs_hint = false} : vector<1024x16xf32>, vector<16x256xf32>, vector<1024x256xf32> -> vector<1024x256xf32>
    %add3A_22 = arith.addf %add3A, %dot_general3A_21 : vector<1024x256xf32>
    %get3A_23 = arith.constant 0 : index
    %get3A_24 = arith.constant 0 : index
    %get3A_25 = vector.load %arg4[%get3A_23, %get3A_24] : memref<1024x32xf32, #tpu.memory_space<vmem>>, vector<1024x32xf32>
    %get3A_26 = arith.constant 0 : index
    %get3A_27 = arith.constant 0 : index
    %get3A_28 = vector.load %arg9[%get3A_26, %get3A_27] : memref<32x256xf32, #tpu.memory_space<vmem>>, vector<32x256xf32>
    %dot_general3A_29 = arith.constant dense<0.000000e+00> : vector<1024x256xf32>
    %dot_general3A_30 = tpu.matmul %get3A_25, %get3A_28, %dot_general3A_29 {dimension_numbers = #tpu.dot_dimension_numbers<[1], [0], [0], [1], [0, 0, 1, 1], [], []>, transpose_lhs_hint = false} : vector<1024x32xf32>, vector<32x256xf32>, vector<1024x256xf32> -> vector<1024x256xf32>
    %add3A_31 = arith.addf %add3A_22, %dot_general3A_30 : vector<1024x256xf32>
    %get3A_32 = arith.constant 0 : index
    %get3A_33 = arith.constant 0 : index
    %get3A_34 = vector.load %arg5[%get3A_32, %get3A_33] : memref<1024x34xf32, #tpu.memory_space<vmem>>, vector<1024x34xf32>
    %get3A_35 = arith.constant 0 : index
    %get3A_36 = arith.constant 0 : index
    %get3A_37 = vector.load %arg10[%get3A_35, %get3A_36] : memref<34x256xf32, #tpu.memory_space<vmem>>, vector<34x256xf32>
    %dot_general3A_38 = arith.constant dense<0.000000e+00> : vector<1024x256xf32>
    %dot_general3A_39 = tpu.matmul %get3A_34, %get3A_37, %dot_general3A_38 {dimension_numbers = #tpu.dot_dimension_numbers<[1], [0], [0], [1], [0, 0, 1, 1], [], []>, transpose_lhs_hint = false} : vector<1024x34xf32>, vector<34x256xf32>, vector<1024x256xf32> -> vector<1024x256xf32>
    %add3A_40 = arith.addf %add3A_31, %dot_general3A_39 : vector<1024x256xf32>
    %get3A_41 = arith.constant 0 : index
    %get3A_42 = arith.constant 0 : index
    %get3A_43 = vector.load %arg11[%get3A_41, %get3A_42] : memref<1x256xf32, #tpu.memory_space<vmem>>, vector<1x256xf32>
    %add3A_44 = vector.broadcast %get3A_43 : vector<1x256xf32> to vector<1024x256xf32>
    %add3A_45 = arith.addf %add3A_40, %add3A_44 : vector<1024x256xf32>
    %max3A = arith.constant 0.000000e+00 : f32
    %max3A_46 = vector.broadcast %max3A : f32 to vector<1024x256xf32>
    %max3A_47 = arith.maximumf %add3A_45, %max3A_46 : vector<1024x256xf32>
    %get3A_48 = arith.constant 0 : index
    %get3A_49 = arith.constant 0 : index
    %get3A_50 = vector.load %arg12[%get3A_48, %get3A_49] : memref<256x64xf32, #tpu.memory_space<vmem>>, vector<256x64xf32>
    %dot_general3A_51 = arith.constant dense<0.000000e+00> : vector<1024x64xf32>
    %dot_general3A_52 = tpu.matmul %max3A_47, %get3A_50, %dot_general3A_51 {dimension_numbers = #tpu.dot_dimension_numbers<[1], [0], [0], [1], [0, 0, 1, 1], [], []>, transpose_lhs_hint = false} : vector<1024x256xf32>, vector<256x64xf32>, vector<1024x64xf32> -> vector<1024x64xf32>
    %get3A_53 = arith.constant 0 : index
    %get3A_54 = arith.constant 0 : index
    %get3A_55 = vector.load %arg13[%get3A_53, %get3A_54] : memref<1x64xf32, #tpu.memory_space<vmem>>, vector<1x64xf32>
    %add3A_56 = vector.broadcast %get3A_55 : vector<1x64xf32> to vector<1024x64xf32>
    %add3A_57 = arith.addf %dot_general3A_52, %add3A_56 : vector<1024x64xf32>
    %swap3A = arith.constant 0 : index
    %swap3A_58 = arith.constant 0 : index
    %swap3A_59 = vector.load %arg14[%swap3A, %swap3A_58] : memref<1024x64xf32, #tpu.memory_space<vmem>>, vector<1024x64xf32>
    tpu.vector_store %arg14[%swap3A, %swap3A_58], %add3A_57 {strides = array<i32>} : memref<1024x64xf32, #tpu.memory_space<vmem>>, vector<1024x64xf32>,
    return
  }
  func.func @transform_0(%arg0: i32) -> (i32, i32) {
    %c0_i32 = arith.constant 0 : i32
    %c0_i32_0 = arith.constant 0 : i32
    return %arg0, %c0_i32 : i32, i32
  }
  func.func @transform_1(%arg0: i32) -> (i32, i32) {
    %c0_i32 = arith.constant 0 : i32
    %c0_i32_0 = arith.constant 0 : i32
    return %arg0, %c0_i32 : i32, i32
  }
  func.func @transform_2(%arg0: i32) -> (i32, i32) {
    %c0_i32 = arith.constant 0 : i32
    %c0_i32_0 = arith.constant 0 : i32
    return %arg0, %c0_i32 : i32, i32
  }
  func.func @transform_3(%arg0: i32) -> (i32, i32) {
    %c0_i32 = arith.constant 0 : i32
    %c0_i32_0 = arith.constant 0 : i32
    return %arg0, %c0_i32 : i32, i32
  }
  func.func @transform_4(%arg0: i32) -> (i32, i32) {
    %c0_i32 = arith.constant 0 : i32
    %c0_i32_0 = arith.constant 0 : i32
    return %arg0, %c0_i32 : i32, i32
  }
  func.func @transform_5(%arg0: i32) -> (i32, i32) {
    %c0_i32 = arith.constant 0 : i32
    %c0_i32_0 = arith.constant 0 : i32
    %c0_i32_1 = arith.constant 0 : i32
    return %c0_i32, %c0_i32_0 : i32, i32
  }
  func.func @transform_6(%arg0: i32) -> (i32, i32) {
    %c0_i32 = arith.constant 0 : i32
    %c0_i32_0 = arith.constant 0 : i32
    %c0_i32_1 = arith.constant 0 : i32
    return %c0_i32, %c0_i32_0 : i32, i32
  }
  func.func @transform_7(%arg0: i32) -> (i32, i32) {
    %c0_i32 = arith.constant 0 : i32
    %c0_i32_0 = arith.constant 0 : i32
    %c0_i32_1 = arith.constant 0 : i32
    return %c0_i32, %c0_i32_0 : i32, i32
  }
  func.func @transform_8(%arg0: i32) -> (i32, i32) {
    %c0_i32 = arith.constant 0 : i32
    %c0_i32_0 = arith.constant 0 : i32
    %c0_i32_1 = arith.constant 0 : i32
    return %c0_i32, %c0_i32_0 : i32, i32
  }
  func.func @transform_9(%arg0: i32) -> (i32, i32) {
    %c0_i32 = arith.constant 0 : i32
    %c0_i32_0 = arith.constant 0 : i32
    %c0_i32_1 = arith.constant 0 : i32
    return %c0_i32, %c0_i32_0 : i32, i32
  }
  func.func @transform_10(%arg0: i32) -> (i32, i32) {
    %c0_i32 = arith.constant 0 : i32
    %c0_i32_0 = arith.constant 0 : i32
    %c0_i32_1 = arith.constant 0 : i32
    return %c0_i32, %c0_i32_0 : i32, i32
  }
  func.func @transform_11(%arg0: i32) -> (i32, i32) {
    %c0_i32 = arith.constant 0 : i32
    %c0_i32_0 = arith.constant 0 : i32
    %c0_i32_1 = arith.constant 0 : i32
    return %c0_i32, %c0_i32_0 : i32, i32
  }
  func.func @transform_12(%arg0: i32) -> (i32, i32) {
    %c0_i32 = arith.constant 0 : i32
    %c0_i32_0 = arith.constant 0 : i32
    %c0_i32_1 = arith.constant 0 : i32
    return %c0_i32, %c0_i32_0 : i32, i32
  }
  func.func @transform_13(%arg0: i32) -> (i32, i32) {
    %c0_i32 = arith.constant 0 : i32
    %c0_i32_0 = arith.constant 0 : i32
    return %arg0, %c0_i32 : i32, i32
  }
}

</mosaic_0001>

<sc_bundles>
// kernel: kernel.4.cloned.1.call-start
scs
__scs_entry_jumppad:
0x0: {  	(pc) =	sbr.rel $0x88, $3  }
0x1: {  	(tag) =	ssettag $0x0;
	lr =	simm.s32 $0x1  }
0x2: {  	[smem:$0x3F97] =	sst lr;
	_ =	strace $0xD0000000  }
0x3: {  	_ = 	snop  }
0x4: {  	_ = 	snop  }
0x5: {  	_ = 	snop  }
0x6: {  	_ = 	snop  }
0x7: {  	_ = 	snop  }
__scs_overlays_trampoline_lowered:
0x8: {  	[smem:$0x3FA6] =	sst s0  }
0x9: {  	[smem:$0x3FA7] =	sst s1  }
0xa: {  	[smem:$0x3FA8] =	sst s2  }
0xb: {  	[smem:$0x3FA9] =	sst s3  }
0xc: {  	[smem:$0x3FAA] =	sst s4  }
0xd: {  	[smem:$0x3FAB] =	sst s5  }
0xe: {  	[smem:$0x3FAC] =	sst s6  }
0xf: {  	[smem:$0x3FAD] =	sst s7  }
0x10: {  	[smem:$0x3FAE] =	sst s8  }
0x11: {  	[smem:$0x3FAF] =	sst s9;
	s0 =	simm.s32 @!p0 $0x0  }
0x12: {  	s1 =	sld [smem:$0x3F95];
	s0 =	simm.s32 @p0 $0x1  }
0x13: {  	[smem:$0x3FB0] =	sst s0;
	s0 =	simm.s32 @!p1 $0x0  }
0x14: {  	s2 =	sld [smem:$0x3F94];
	s0 =	simm.s32 @p1 $0x1  }
0x15: {  	[smem:$0x3FB1] =	sst s0;
	s0 =	simm.s32 @!p2 $0x0  }
0x16: {  	s3 =	sld [smem:$0x3FDB];
	s0 =	simm.s32 @p2 $0x1  }
0x17: {  	s4 =	simm.s32 $0x1BF5;
	[smem:$0x3FB3] =	sst s0  }
0x18: {  	s0 =	sld [smem:$0x3F96];
	_ =	swait.ge [sflag:s4], $0x0  }
0x19: {  	s7 =	sld [smem:$0x3F97]  }
0x1a: {  	s8 =	sadd.s32 $0xFFFFE003, lr  }
0x1b: {  	s9 =	sadd.s32 $0xFFFFFEF7, lr;
	s5 =	simm.s32 $0xFFFFFFFF;
	p2 =	slt.u32 s8, $0xFFFFF086  }
0x1c: {  	p1 =	slt.u32 s9, $0xF7A;
	s5 =	simm.s32 @!p2 $0x0  }
0x1d: {  	s5 =	simm.s32 @p1 $0x1;
	p0 =	seq.s32 s7, s2  }
0x1e: {  	s7 =	smul.u32 @!p0 $0xF7A, s2;
	p2 =	seq.s32 @!p0 s5, $0x0  }
0x1f: {  	s9 =	smul.u32 $0xF7A, s1;
	s8 =	simm.s32 @!p0 $0x1BF5;
	p2 =	por !p2, p0  }
0x20: {  	[sflag:s8] =	ssyncset.s32 @!p0 $0xFFFFF086;
	s6 =	sadd.s32 @!p0 s3, s7;
	s7 =	simm.s32 @!p0 $0x108  }
0x21: {  	s3 =	sadd.s32 s3, s9;
	s6 =	sadd.s32 @!p0 $0x88, s6;
	s7 =	simm.s32 @p2 $0x1082  }
0x22: {  	[simem:s7], [sflag:s8] =	dma.local @!p0 [hbm:s6], $0xF7A  }
0x23: {  	s9 =	sor.u32 $0xD0000000, s2;
	s6 =	simm.s32 $0x108;
	_ =	swait.ge @!p0 [sflag:s8], $0x0  }
0x24: {  	s3 =	sadd.s32 $0x88, s3;
	s6 =	simm.s32 @!p1 $0x1082;
	[sflag:s4] =	ssyncset.s32 $0xFFFFF086  }
0x25: {  	[simem:s6], [sflag:s4] =	dma.local [hbm:s3], $0xF7A  }
0x26: {  	[smem:$0x3F97] =	sst s1;
	(tag) =	ssettag s2;
	_ =	strace s9  }
0x27: {  	s1 =	sld [smem:$0x3FA7]  }
0x28: {  	s2 =	sld [smem:$0x3FA8]  }
0x29: {  	s4 =	sld [smem:$0x3FAA]  }
0x2a: {  	p0 =	seq.s32 s5, $0x0;
	s5 =	sld [smem:$0x3FAB]  }
0x2b: {  	s6 =	sld [smem:$0x3FAC]  }
0x2c: {  	s7 =	sld [smem:$0x3FAD]  }
0x2d: {  	s3 =	simm.s32 $0x108;
	s8 =	sld [smem:$0x3FAE]  }
0x2e: {  	s3 =	simm.s32 @!p0 $0x1082;
	s9 =	sld [smem:$0x3FAF]  }
0x2f: {  	lr =	sadd.s32 s0, s3;
	s0 =	sld [smem:$0x3FA6]  }
0x30: {  	s3 =	sld [smem:$0x3FA9]  }
0x31: {  	[smem:$0x3FB2] =	sst s10  }
0x32: {  	s10 =	sld [smem:$0x3FB0];
	_ =	sdelay $0x3  }
0x33: {  	p0 =	seq.s32 s10, $0x1;
	s10 =	sld [smem:$0x3FB2];
	_ =	sdelay $0x3  }
0x34: {  	[smem:$0x3FB2] =	sst s10  }
0x35: {  	s10 =	sld [smem:$0x3FB1];
	_ =	sdelay $0x3  }
0x36: {  	p1 =	seq.s32 s10, $0x1;
	s10 =	sld [smem:$0x3FB2];
	_ =	sdelay $0x3  }
0x37: {  	[smem:$0x3FB2] =	sst s10  }
0x38: {  	s10 =	sld [smem:$0x3FB3]  }
0x39: {  	_ = 	snop;
	(pc) =	sbr.ind lr, $3  }
0x3a: {  	_ = 	snop  }
0x3b: {  	_ = 	snop  }
0x3c: {  	p2 =	seq.s32 s10, $0x1;
	s10 =	sld [smem:$0x3FB2]  }
0x3d: {  	_ =	shalt  }
0x3e: {  	_ =	shalt  }
0x3f: {  	_ =	shalt  }
0x40: {  	_ =	shalt  }
0x41: {  	_ =	shalt  }
0x42: {  	_ =	shalt  }
0x43: {  	_ =	shalt  }
0x44: {  	_ =	shalt  }
0x45: {  	_ =	shalt  }
0x46: {  	_ =	shalt  }
0x47: {  	_ =	shalt  }
0x48: {  	_ =	shalt  }
0x49: {  	_ =	shalt  }
0x4a: {  	_ =	shalt  }
0x4b: {  	_ =	shalt  }
0x4c: {  	_ =	shalt  }
0x4d: {  	_ =	shalt  }
0x4e: {  	_ =	shalt  }
0x4f: {  	_ =	shalt  }
0x50: {  	_ =	shalt  }
0x51: {  	_ =	shalt  }
0x52: {  	_ =	shalt  }
0x53: {  	_ =	shalt  }
0x54: {  	_ =	shalt  }
0x55: {  	_ =	shalt  }
0x56: {  	_ =	shalt  }
0x57: {  	_ =	shalt  }
0x58: {  	_ =	shalt  }
0x59: {  	_ =	shalt  }
0x5a: {  	_ =	shalt  }
0x5b: {  	_ =	shalt  }
0x5c: {  	_ =	shalt  }
0x5d: {  	_ =	shalt  }
0x5e: {  	_ =	shalt  }
0x5f: {  	_ =	shalt  }
0x60: {  	_ =	shalt  }
0x61: {  	_ =	shalt  }
0x62: {  	_ =	shalt  }
0x63: {  	_ =	shalt  }
0x64: {  	_ =	shalt  }
0x65: {  	_ =	shalt  }
0x66: {  	_ =	shalt  }
0x67: {  	_ =	shalt  }
0x68: {  	_ =	shalt  }
0x69: {  	_ =	shalt  }
0x6a: {  	_ =	shalt  }
0x6b: {  	_ =	shalt  }
0x6c: {  	_ =	shalt  }
0x6d: {  	_ =	shalt  }
0x6e: {  	_ =	shalt  }
0x6f: {  	_ =	shalt  }
0x70: {  	_ =	shalt  }
0x71: {  	_ =	shalt  }
0x72: {  	_ =	shalt  }
0x73: {  	_ =	shalt  }
0x74: {  	_ =	shalt  }
0x75: {  	_ =	shalt  }
0x76: {  	_ =	shalt  }
0x77: {  	_ =	shalt  }
0x78: {  	_ =	shalt  }
0x79: {  	_ =	shalt  }
0x7a: {  	_ =	shalt  }
0x7b: {  	_ =	shalt  }
0x7c: {  	_ =	shalt  }
0x7d: {  	_ =	shalt  }
0x7e: {  	_ =	shalt  }
0x7f: {  	_ =	shalt  }
0x80: {  	_ =	shalt  }
0x81: {  	_ =	shalt  }
0x82: {  	_ =	shalt  }
0x83: {  	_ =	shalt  }
0x84: {  	_ =	shalt  }
0x85: {  	_ =	shalt  }
0x86: {  	_ =	shalt  }
0x87: {  	_ =	shalt  }
.Lfunc_end0:
.L_simem_size_0:
called_computation_lowered:
.L_overlay_start_0:
0x88: {  	s2 =	sld [smem:$0x3FD9]  }
0x89: {  	s3 =	sld [smem:$0x3FFE];
	_ =	sdelay $0x1  }
0x8a: {  	s1 =	srdreg.scid  }
0x8b: {  	s0 =	sand.u32 $0x1, s1  }
0x8c: {  	s17 =	sshll.u32 s0, $0xA;
	s2 =	sadd.s32 s3, s2  }
0x8d: {  	s2 =	sadd.s32 s2, s17  }
0x8e: {  	[smem:$0x3FBE] =	sst s2  }
0x8f: {  	_ = 	snop  }
0x90: {  	s2 =	sld [smem:$0x3FC9]  }
0x91: {  	s18 =	sld [smem:$0x3FD0];
	(tm) =	ssettm $0x1  }
0x92: {  	s4 =	sld [smem:$0x3FFB];
	_ =	sdelay $0x3  }
0x93: {  	_ =	strace s4  }
0x94: {  	s4 =	sld [smem:$0x3FFC];
	_ =	sdelay $0x3  }
0x95: {  	_ =	strace s4  }
0x96: {  	s4 =	sld [smem:$0x3FFD];
	_ =	sdelay $0x3  }
0x97: {  	_ =	strace s4  }
0x98: {  	_ =	strace $0x8FFFFFFF  }
0x99: {  	s19 =	sld [smem:$0x3FDB];
	_ =	sdelay $0x1  }
0x9a: {  	s5 =	simm.s32 $_scs_section_size  }
0x9b: {  	s6 =	simm.s32 $_size__tile_overlayer_lowered;
	s7 =	simm.s32 $_tile_overlayer_lowered  }
0x9c: {  	s22 =	simm.s32 $0x1BFF;
	s21 =	sshll.u32 s7, $0x1;
	s4 =	sadd.s32 s5, s19  }
0x9d: {  	s8 =	simm.s32 $0x0;
	s20 =	sshll.u32 s6, $0x1;
	s6 =	sadd.s32 s21, s4  }
0x9e: {  	[timem:s8], [sflag:s22] =	dma.local [hbm:s6], s20  }
0x9f: {  	_ =	swait.ge [sflag:s22], s20  }
0xa0: {  	s5 =	ssub.s32 $0x0, s20;
	[sflag:s22] =	ssyncset.done $0x0  }
0xa1: {  	[sflag:s22] =	ssyncadd.s32 s5;
	_ =	sdelay $0x1  }
0xa2: {  	s23 =	simm.s32 $0x1B8B  }
0xa3: {  	_ =	swait.ge [sflag:s23], $0x1  }
0xa4: {  	[sflag:s23] =	ssyncset.done $0x0  }
0xa5: {  	s25 =	simm.s32 $0x1B8E;
	s24 =	sld [smem:$0x3FFE];
	[sflag:s23] =	ssyncadd.s32 $0xFFFFFFFF  }
0xa6: {  	s26 =	simm.s32 $execute0_lowered;
	[smem:$0x3FD2] =	sst s25  }
0xa7: {  	s6 =	sshll.u32 s26, $0x1;
	_ =	strace $0x80000046;
	[dreg:$0x1] =	wrdreg $0xFFFFFFFF  }
0xa8: {  	s28 =	simm.s32 $_size_execute0_lowered;
	s4 =	sadd.s32 s4, s6;
	[dreg:$0x0] =	wrdreg $0x0  }
0xa9: {  	s6 =	sshll.u32 s28, $0x1;
	[dreg:$0x2] =	wrdreg s4  }
0xaa: {  	[dreg:$0x3] =	wrdreg s6  }
0xab: {  	[dreg:$0x4] =	wrdreg $0xC0  }
0xac: {  	_ =	task [dreg:s8], $0x5FFFF  }
0xad: {  	[dreg:$0x1] =	wrdreg $0xFFFFFFFF  }
0xae: {  	[dreg:$0x0] =	wrdreg $0x60  }
0xaf: {  	[dreg:$0x2] =	wrdreg s2  }
0xb0: {  	[dreg:$0x3] =	wrdreg s24  }
0xb1: {  	[dreg:$0x4] =	wrdreg s18  }
0xb2: {  	[dreg:$0x5] =	wrdreg $0x9  }
0xb3: {  	_ =	task.clear_ibuf [dreg:s8], $0x6FFFF;
	_ =	strace $0x90000046  }
0xb4: {  	s29 =	simm.s32 $0x9;
	_ =	strace $0x80000048  }
0xb5: {  	_ =	swait.ge [sflag:s29], $0x1  }
0xb6: {  	[sflag:s29] =	ssyncadd.s32 $0xFFFFFFFF  }
0xb7: {  	_ =	strace $0x90000048  }
0xb8: {  	_ =	sfence  }
0xb9: {  	s30 =	sld [smem:$0x0];
	_ =	sdelay $0x2  }
0xba: {  	s31 =	sshll.u32 s1, $0xD;
	s1 =	sshrl.u32 s1, $0x2  }
0xbb: {  	s3 =	sand.u32 $0x4000, s31;
	s1 =	sadd.s32 s1, s30  }
0xbc: {  	s0 =	sor.u32 s3, s0;
	s1 =	sshll.u32 s1, $0x11  }
0xbd: {  	s0 =	sor.u32 s1, s0  }
0xbe: {  	s0 =	sadd.s32 $0x8F2B, s0  }
0xbf: {  	[sflag:s0] =	ssyncadd.remote.s32 $0x1  }
0xc0: {  	_ =	sfence.sel $0xFFFF  }
0xc1: {  	[dreg:$0x0] =	wrdreg $0xFFFFFFFF;
	(pc) =	sbr.abs _section_cstart, $3  }
0xc2: {  	[dreg:$0x1] =	wrdreg $0xFFFFFFFF  }
0xc3: {  	_ =	task.clear_ibuf [dreg:s8], $0x2FFFF;
	_ =	strace $0x9FFFFFFF  }
0xc4: {  	(tm) =	ssettm $0x7FFFFFFF  }
0xc5: {  	_ =	shalt  }
tec
execute0_lowered:
.L_overlay_start_1:
0x0: {  	(tag) =	ssettag $0x1  }
0x1: {  	s0 =	rddreg [dreg:$0x0]  }
0x2: {  	s1 =	rddreg [dreg:$0x1]  }
0x3: {  	s2 =	srdreg.scid;
	s3 =	rddreg [dreg:$0x2]  }
0x4: {  	s5 =	stileid.u32;
	s18 =	rddreg [dreg:$0x3]  }
0x5: {  	s17 =	simm.s32 $0x2800;
	s19 =	simm.s32 $0x280;
	s14 =	simm.s32 $0x200  }
0x6: {  	s15 =	simm.s32 $0x400;
	s16 =	simm.s32 $0x600;
	s13 =	simm.s32 $0x80  }
0x7: {  	s28 =	simm.s32 $0x380;
	p0 =	por $0x0, $0x0;
	s29 =	simm.s32 $0xB800  }
0x8: {  	s30 =	simm.s32 $0x580;
	s4 =	sand.u32 $0x1, s2;
	s5 =	sshll.u32 s5, $0x1  }
0x9: {  	s2 =	simm.s32 $0x0;
	s8 =	sadd.s32 $0xF45C00, s1;
	s9 =	sadd.s32 $0x3800, s1  }
0xa: {  	s10 =	sadd.s32 $0xD600, s1;
	s11 =	sadd.s32 $0x18A200, s1;
	s5 =	sor.u32 s4, s5  }
0xb: {  	[smem:$0x7FF] =	sst s2;
	s26 =	ssub.s32 $0x2, s4;
	s6 =	sshll.u32 s5, $0x6  }
0xc: {  	_ =	strace $0x80000047;
	s12 =	sshll.u32 s5, $0xA;
	s22 =	sshll.u32 s5, $0xB  }
0xd: {  	s5 =	sshll.u32 s5, $0xC;
	s4 =	sshrl.u32 s26, $0x1;
	[dreg:$0xc] =	wrdreg s17  }
0xe: {  	[dreg:$0xd] =	wrdreg s19;
	s7 =	sadd.s32 s6, s1;
	s0 =	sadd.s32 s0, s6  }
0xf: {  	s20 =	sadd.s32 s12, s1;
	s25 =	sadd.s32 s3, s5;
	[dreg:$0x4] =	wrdreg s0  }
0x10: {  	s1 =	sadd.s32 s22, s1;
	s22 =	simm.s32 $0xD000;
	[dreg:$0x8] =	wrdreg s25  }
0x11: {  	s3 =	ssub.s32 s26, s4;
	s26 =	simm.s32 $0x4800;
	[dreg:$0x10] =	wrdreg s22  }
0x12: {  	s31 =	simm.s32 $0xE000;
	s21 =	sadd.s32 $0x3000, s7;
	[dreg:$0x14] =	wrdreg s26  }
0x13: {  	s19 =	simm.s32 $0x300;
	s23 =	sadd.s32 $0x2800, s7;
	[dreg:$0x5] =	wrdreg s21  }
0x14: {  	s4 =	simm.s32 $0xE800;
	s24 =	sadd.s32 $0x2000, s7;
	[dreg:$0x6] =	wrdreg s23  }
0x15: {  	s5 =	sadd.s32 $0x25E00, s1;
	s6 =	sadd.s32 $0x1DE00, s20;
	[dreg:$0x7] =	wrdreg s24  }
0x16: {  	s7 =	sadd.s32 $0xDE00, s1;
	s12 =	smax.u32 s3, $0x1;
	[dreg:$0x9] =	wrdreg s5  }
0x17: {  	s3 =	simm.s32 $0x2;
	s20 =	simm.s32 $0x9800;
	[dreg:$0xa] =	wrdreg s6  }
0x18: {  	s25 =	simm.s32 $0x100;
	s26 =	simm.s32 $0x6800;
	[dreg:$0xb] =	wrdreg s7  }
0x19: {  	s22 =	simm.s32 $0x780;
	[dreg:$0xe] =	wrdreg s20;
	s21 =	simm.s32 $0x480  }
0x1a: {  	s23 =	simm.s32 $0x680;
	[dreg:$0x13] =	wrdreg s25;
	p1 =	sne.s32 s12, $0x1  }
.Ltmp0:
0x1b: {  	s7 =	simm.s32 $0x800;
	s0 =	rddreg [dreg:$0x4];
	(pc) =	sbr.rel @!p1 .LBB2_1-.Ltmp0, $4  }
0x1c: {  	s24 =	simm.s32 $0xF800;
	s6 =	simm.s32 $0x8800;
	[dreg:$0xf] =	wrdreg s21  }
0x1d: {  	s5 =	simm.s32 $0xC800;
	s20 =	simm.s32 $0xA800;
	[dreg:$0x11] =	wrdreg s23  }
0x1e: {  	s25 =	simm.s32 $0x180;
	[dreg:$0x12] =	wrdreg s24;
	s21 =	simm.s32 $0x500  }
0x1f: {  	s24 =	simm.s32 $0x10800;
	s23 =	sadd.s32 $0xFFFFFFFF, s12;
	s12 =	simm.s32 $0x1  }
0x20: {  	[tilespmem:s2], [sflag:$0x2] =	stream.linear.gather [hbm4b:s0+s2], $0x200, $0x38;
	[tilespmem:$0x12800] =	vst v63  }
0x21: {  	_ =	swait.ge [sflag:s3], $0x200  }
0x22: {  	[sflag:s3] =	ssyncset.done $0x0  }
0x23: {  	s1 =	rddreg [dreg:$0x5];
	[sflag:s3] =	ssyncadd.s32 $0xFFFFFE00  }
0x24: {  	[tilespmem:s14], [sflag:$0x2] =	stream.linear.gather [hbm4b:s1+s2], $0x200, $0x38;
	[tilespmem:$0x12800] =	vst v63  }
0x25: {  	_ =	swait.ge [sflag:s3], $0x200  }
0x26: {  	[sflag:s3] =	ssyncset.done $0x0  }
0x27: {  	s17 =	rddreg [dreg:$0x6];
	[sflag:s3] =	ssyncadd.s32 $0xFFFFFE00  }
0x28: {  	[tilespmem:s15], [sflag:$0x2] =	stream.linear.gather [hbm4b:s17+s2], $0x200, $0x38;
	[tilespmem:$0x12800] =	vst v63  }
0x29: {  	_ =	swait.ge [sflag:s3], $0x200  }
0x2a: {  	[sflag:s3] =	ssyncset.done $0x0  }
0x2b: {  	s18 =	rddreg [dreg:$0x7];
	[sflag:s3] =	ssyncadd.s32 $0xFFFFFE00  }
0x2c: {  	[tilespmem:s16], [sflag:$0x2] =	stream.linear.gather [hbm4b:s18+s2], $0x200, $0x38;
	[tilespmem:$0x12800] =	vst v63  }
0x2d: {  	_ =	swait.ge [sflag:s3], $0x200  }
0x2e: {  	[sflag:s3] =	ssyncset.done $0x0;
	s18 =	rddreg [dreg:$0x10]  }
0x2f: {  	s1 =	rddreg [dreg:$0xe];
	[sflag:s3] =	ssyncadd.s32 $0xFFFFFE00  }
0x30: {  	[tilespmem:s7], [sflag:$0x1] =	stream.indirect.gather [hbm4b:s8+s13], $0x40, s2, s13, $0xb8;
	[tilespmem:$0x12800] =	vst v63  }
0x31: {  	s17 =	rddreg [dreg:$0xc]  }
0x32: {  	[tilespmem:s6], [sflag:$0x1] =	stream.indirect.gather [hbm4b:s9+s13], $0x20, s14, s13, $0xb8;
	[tilespmem:$0x12800] =	vst v63  }
0x33: {  	s0 =	rddreg [dreg:$0xf]  }
0x34: {  	[tilespmem:s5], [sflag:$0x1] =	stream.indirect.gather [hbm4b:s10+s13], $0x10, s15, s13, $0xb8;
	[tilespmem:$0x12800] =	vst v63  }
0x35: {  	[dreg:$0x15] =	wrdreg s1  }
0x36: {  	[tilespmem:s4], [sflag:$0x1] =	stream.indirect.gather [hbm4b:s11+s13], $0x20, s16, s13, $0xb8;
	[tilespmem:$0x12800] =	vst v63  }
0x37: {  	s1 =	rddreg [dreg:$0xd]  }
0x38: {  	[tilespmem:s17], [sflag:$0x1] =	stream.indirect.gather [hbm4b:s8+s13], $0x40, s13, s13, $0xb8;
	[tilespmem:$0x12800] =	vst v63  }
0x39: {  	s17 =	rddreg [dreg:$0x15]  }
0x3a: {  	[tilespmem:s17], [sflag:$0x1] =	stream.indirect.gather [hbm4b:s9+s13], $0x20, s1, s13, $0xb8;
	[tilespmem:$0x12800] =	vst v63  }
0x3b: {  	s17 =	rddreg [dreg:$0x12]  }
0x3c: {  	s1 =	rddreg [dreg:$0x11]  }
0x3d: {  	[dreg:$0x16] =	wrdreg s1  }
0x3e: {  	s1 =	rddreg [dreg:$0x14]  }
0x3f: {  	[tilespmem:s18], [sflag:$0x1] =	stream.indirect.gather [hbm4b:s10+s13], $0x10, s0, s13, $0xb8;
	[tilespmem:$0x12800] =	vst v63  }
0x40: {  	s18 =	rddreg [dreg:$0x16]  }
0x41: {  	[tilespmem:s17], [sflag:$0x1] =	stream.indirect.gather [hbm4b:s11+s13], $0x20, s18, s13, $0xb8;
	[tilespmem:$0x12800] =	vst v63  }
0x42: {  	s0 =	rddreg [dreg:$0x13]  }
0x43: {  	[tilespmem:s1], [sflag:$0x1] =	stream.indirect.gather [hbm4b:s8+s13], $0x40, s0, s13, $0xb8;
	[tilespmem:$0x12800] =	vst v63  }
0x44: {  	_ = 	snop  }
0x45: {  	[tilespmem:s20], [sflag:$0x1] =	stream.indirect.gather [hbm4b:s9+s13], $0x20, s19, s13, $0xb8;
	[tilespmem:$0x12800] =	vst v63  }
0x46: {  	s18 =	simm.s32 $0xD800  }
0x47: {  	[tilespmem:s18], [sflag:$0x1] =	stream.indirect.gather [hbm4b:s10+s13], $0x10, s21, s13, $0xb8;
	[tilespmem:$0x12800] =	vst v63  }
0x48: {  	s1 =	simm.s32 $0x700  }
0x49: {  	[tilespmem:s24], [sflag:$0x1] =	stream.indirect.gather [hbm4b:s11+s13], $0x20, s1, s13, $0xb8;
	[tilespmem:$0x12800] =	vst v63  }
0x4a: {  	_ = 	snop  }
0x4b: {  	[tilespmem:s26], [sflag:$0x1] =	stream.indirect.gather [hbm4b:s8+s13], $0x40, s25, s13, $0xb8;
	[tilespmem:$0x12800] =	vst v63  }
0x4c: {  	_ = 	snop  }
0x4d: {  	[tilespmem:s29], [sflag:$0x1] =	stream.indirect.gather [hbm4b:s9+s13], $0x20, s28, s13, $0xb8;
	[tilespmem:$0x12800] =	vst v63  }
0x4e: {  	_ = 	snop  }
0x4f: {  	[tilespmem:s31], [sflag:$0x1] =	stream.indirect.gather [hbm4b:s10+s13], $0x10, s30, s13, $0xb8;
	[tilespmem:$0x12800] =	vst v63  }
0x50: {  	s17 =	simm.s32 $0x11800  }
0x51: {  	[tilespmem:s17], [sflag:$0x1] =	stream.indirect.gather [hbm4b:s11+s13], $0x20, s22, s13, $0xb8;
	[tilespmem:$0x12800] =	vst v63  }
0x52: {  	_ =	swait.ge [sflag:s12], $0x2000  }
0x53: {  	[sflag:s12] =	ssyncset.done $0x0  }
0x54: {  	[sflag:s12] =	ssyncadd.s32 $0xFFFFE000  }
0x55: {  	_ =	swait.ge [sflag:s12], $0x1000  }
0x56: {  	[sflag:s12] =	ssyncset.done $0x0  }
0x57: {  	[sflag:s12] =	ssyncadd.s32 $0xFFFFF000  }
0x58: {  	_ =	swait.ge [sflag:s12], $0x800  }
0x59: {  	[sflag:s12] =	ssyncset.done $0x0  }
0x5a: {  	[sflag:s12] =	ssyncadd.s32 $0xFFFFF800  }
0x5b: {  	_ =	swait.ge [sflag:s12], $0x1000  }
0x5c: {  	[sflag:s12] =	ssyncset.done $0x0  }
0x5d: {  	[sflag:s12] =	ssyncadd.s32 $0xFFFFF000  }
0x5e: {  	_ =	swait.ge [sflag:s12], $0x2000  }
0x5f: {  	[sflag:s12] =	ssyncset.done $0x0  }
0x60: {  	[sflag:s12] =	ssyncadd.s32 $0xFFFFE000  }
0x61: {  	_ =	swait.ge [sflag:s12], $0x1000  }
0x62: {  	[sflag:s12] =	ssyncset.done $0x0  }
0x63: {  	[sflag:s12] =	ssyncadd.s32 $0xFFFFF000  }
0x64: {  	_ =	swait.ge [sflag:s12], $0x800  }
0x65: {  	[sflag:s12] =	ssyncset.done $0x0  }
0x66: {  	[sflag:s12] =	ssyncadd.s32 $0xFFFFF800  }
0x67: {  	_ =	swait.ge [sflag:s12], $0x1000  }
0x68: {  	[sflag:s12] =	ssyncset.done $0x0  }
0x69: {  	[sflag:s12] =	ssyncadd.s32 $0xFFFFF000  }
0x6a: {  	_ =	swait.ge [sflag:s12], $0x2000  }
0x6b: {  	[sflag:s12] =	ssyncset.done $0x0  }
0x6c: {  	[sflag:s12] =	ssyncadd.s32 $0xFFFFE000  }
0x6d: {  	_ =	swait.ge [sflag:s12], $0x1000  }
0x6e: {  	[sflag:s12] =	ssyncset.done $0x0  }
0x6f: {  	[sflag:s12] =	ssyncadd.s32 $0xFFFFF000  }
0x70: {  	_ =	swait.ge [sflag:s12], $0x800  }
0x71: {  	[sflag:s12] =	ssyncset.done $0x0  }
0x72: {  	[sflag:s12] =	ssyncadd.s32 $0xFFFFF800  }
0x73: {  	_ =	swait.ge [sflag:s12], $0x1000  }
0x74: {  	[sflag:s12] =	ssyncset.done $0x0  }
0x75: {  	[sflag:s12] =	ssyncadd.s32 $0xFFFFF000  }
0x76: {  	_ =	swait.ge [sflag:s12], $0x2000  }
0x77: {  	[sflag:s12] =	ssyncset.done $0x0  }
0x78: {  	[sflag:s12] =	ssyncadd.s32 $0xFFFFE000  }
0x79: {  	_ =	swait.ge [sflag:s12], $0x1000  }
0x7a: {  	[sflag:s12] =	ssyncset.done $0x0  }
0x7b: {  	[sflag:s12] =	ssyncadd.s32 $0xFFFFF000  }
0x7c: {  	_ =	swait.ge [sflag:s12], $0x800  }
0x7d: {  	[sflag:s12] =	ssyncset.done $0x0  }
0x7e: {  	[sflag:s12] =	ssyncadd.s32 $0xFFFFF800  }
0x7f: {  	_ =	swait.ge [sflag:s12], $0x1000  }
0x80: {  	[sflag:s12] =	ssyncset.done $0x0  }
0x81: {  	s18 =	rddreg [dreg:$0x8];
	[sflag:s12] =	ssyncadd.s32 $0xFFFFF000  }
0x82: {  	[hbm4b:s18+s2] =	stream.linear.scatter [tilespmem:s7], [sflag:$0x2], $0x8000, $0x38;
	[tilespmem:$0x12800] =	vst v63  }
0x83: {  	_ =	swait.ge [sflag:s3], $0x8000  }
0x84: {  	[sflag:s3] =	ssyncset.done $0x0  }
0x85: {  	s1 =	rddreg [dreg:$0x9];
	[sflag:s3] =	ssyncadd.s32 $0xFFFF8000  }
0x86: {  	[hbm4b:s1+s2] =	stream.linear.scatter [tilespmem:s6], [sflag:$0x2], $0x4000, $0x38;
	[tilespmem:$0x12800] =	vst v63  }
0x87: {  	_ =	swait.ge [sflag:s3], $0x4000  }
0x88: {  	[sflag:s3] =	ssyncset.done $0x0  }
0x89: {  	s17 =	rddreg [dreg:$0xa];
	[sflag:s3] =	ssyncadd.s32 $0xFFFFC000  }
0x8a: {  	[hbm4b:s17+s2] =	stream.linear.scatter [tilespmem:s5], [sflag:$0x2], $0x2000, $0x38;
	[tilespmem:$0x12800] =	vst v63  }
0x8b: {  	p1 =	sne.s32 s23, $0x1;
	_ =	swait.ge [sflag:s3], $0x2000  }
.Ltmp1:
0x8c: {  	[sflag:s3] =	ssyncset.done $0x0;
	(pc) =	sbr.rel @!p1 .LBB2_3-.Ltmp1, $4  }
0x8d: {  	s18 =	rddreg [dreg:$0xb];
	[sflag:s3] =	ssyncadd.s32 $0xFFFFE000  }
0x8e: {  	[hbm4b:s18+s2] =	stream.linear.scatter [tilespmem:s4], [sflag:$0x2], $0x4000, $0x38;
	[tilespmem:$0x12800] =	vst v63  }
0x8f: {  	p0 =	por $0x1, $0x1;
	s1 =	sadd.s32 $0xFFFFFFFF, s23;
	_ =	swait.ge [sflag:s3], $0x4000  }
0x90: {  	s23 =	simm.s32 $0x11800;
	s0 =	rddreg [dreg:$0x4];
	[sflag:s3] =	ssyncset.done $0x0  }
.LBB2_4:
0x91: {  	[sflag:s3] =	ssyncadd.s32 $0xFFFFC000  }
0x92: {  	[tilespmem:s2], [sflag:$0x2] =	stream.linear.gather [hbm4b:s0+s2], $0x200, $0x38;
	[tilespmem:$0x12800] =	vst v63  }
0x93: {  	_ =	swait.ge [sflag:s3], $0x200  }
0x94: {  	[sflag:s3] =	ssyncset.done $0x0  }
0x95: {  	s19 =	rddreg [dreg:$0x5];
	[sflag:s3] =	ssyncadd.s32 $0xFFFFFE00  }
0x96: {  	[tilespmem:s14], [sflag:$0x2] =	stream.linear.gather [hbm4b:s19+s2], $0x200, $0x38;
	[tilespmem:$0x12800] =	vst v63  }
0x97: {  	_ =	swait.ge [sflag:s3], $0x200  }
0x98: {  	[sflag:s3] =	ssyncset.done $0x0  }
0x99: {  	s20 =	rddreg [dreg:$0x6];
	[sflag:s3] =	ssyncadd.s32 $0xFFFFFE00  }
0x9a: {  	[tilespmem:s15], [sflag:$0x2] =	stream.linear.gather [hbm4b:s20+s2], $0x200, $0x38;
	[tilespmem:$0x12800] =	vst v63  }
0x9b: {  	_ =	swait.ge [sflag:s3], $0x200  }
0x9c: {  	[sflag:s3] =	ssyncset.done $0x0  }
0x9d: {  	s21 =	rddreg [dreg:$0x7];
	[sflag:s3] =	ssyncadd.s32 $0xFFFFFE00  }
0x9e: {  	[tilespmem:s16], [sflag:$0x2] =	stream.linear.gather [hbm4b:s21+s2], $0x200, $0x38;
	[tilespmem:$0x12800] =	vst v63  }
0x9f: {  	_ =	swait.ge [sflag:s3], $0x200  }
0xa0: {  	[sflag:s3] =	ssyncset.done $0x0  }
0xa1: {  	s0 =	rddreg [dreg:$0x14];
	[sflag:s3] =	ssyncadd.s32 $0xFFFFFE00  }
0xa2: {  	[tilespmem:s7], [sflag:$0x1] =	stream.indirect.gather [hbm4b:s8+s13], $0x40, s2, s13, $0xb8;
	[tilespmem:$0x12800] =	vst v63  }
0xa3: {  	s17 =	rddreg [dreg:$0x12]  }
0xa4: {  	[tilespmem:s6], [sflag:$0x1] =	stream.indirect.gather [hbm4b:s9+s13], $0x20, s14, s13, $0xb8;
	[tilespmem:$0x12800] =	vst v63  }
0xa5: {  	s18 =	rddreg [dreg:$0x10]  }
0xa6: {  	[tilespmem:s5], [sflag:$0x1] =	stream.indirect.gather [hbm4b:s10+s13], $0x10, s15, s13, $0xb8;
	[tilespmem:$0x12800] =	vst v63  }
0xa7: {  	s19 =	rddreg [dreg:$0xe]  }
0xa8: {  	[tilespmem:s4], [sflag:$0x1] =	stream.indirect.gather [hbm4b:s11+s13], $0x20, s16, s13, $0xb8;
	[tilespmem:$0x12800] =	vst v63  }
0xa9: {  	s20 =	rddreg [dreg:$0xc]  }
0xaa: {  	[tilespmem:s20], [sflag:$0x1] =	stream.indirect.gather [hbm4b:s8+s13], $0x40, s13, s13, $0xb8;
	[tilespmem:$0x12800] =	vst v63  }
0xab: {  	s21 =	rddreg [dreg:$0xd]  }
0xac: {  	[tilespmem:s19], [sflag:$0x1] =	stream.indirect.gather [hbm4b:s9+s13], $0x20, s21, s13, $0xb8;
	[tilespmem:$0x12800] =	vst v63  }
0xad: {  	s20 =	rddreg [dreg:$0xf]  }
0xae: {  	[tilespmem:s18], [sflag:$0x1] =	stream.indirect.gather [hbm4b:s10+s13], $0x10, s20, s13, $0xb8;
	[tilespmem:$0x12800] =	vst v63  }
0xaf: {  	s19 =	rddreg [dreg:$0x11]  }
0xb0: {  	[tilespmem:s17], [sflag:$0x1] =	stream.indirect.gather [hbm4b:s11+s13], $0x20, s19, s13, $0xb8;
	[tilespmem:$0x12800] =	vst v63  }
0xb1: {  	s18 =	rddreg [dreg:$0x13]  }
0xb2: {  	[tilespmem:s0], [sflag:$0x1] =	stream.indirect.gather [hbm4b:s8+s13], $0x40, s18, s13, $0xb8;
	[tilespmem:$0x12800] =	vst v63  }
0xb3: {  	s20 =	simm.s32 $0xA800;
	s19 =	simm.s32 $0x300  }
0xb4: {  	[tilespmem:s20], [sflag:$0x1] =	stream.indirect.gather [hbm4b:s9+s13], $0x20, s19, s13, $0xb8;
	[tilespmem:$0x12800] =	vst v63  }
0xb5: {  	s21 =	simm.s32 $0x500;
	s17 =	simm.s32 $0xD800  }
0xb6: {  	[tilespmem:s17], [sflag:$0x1] =	stream.indirect.gather [hbm4b:s10+s13], $0x10, s21, s13, $0xb8;
	[tilespmem:$0x12800] =	vst v63  }
0xb7: {  	s18 =	simm.s32 $0x700  }
0xb8: {  	[tilespmem:s24], [sflag:$0x1] =	stream.indirect.gather [hbm4b:s11+s13], $0x20, s18, s13, $0xb8;
	[tilespmem:$0x12800] =	vst v63  }
0xb9: {  	_ = 	snop  }
0xba: {  	[tilespmem:s26], [sflag:$0x1] =	stream.indirect.gather [hbm4b:s8+s13], $0x40, s25, s13, $0xb8;
	[tilespmem:$0x12800] =	vst v63  }
0xbb: {  	_ = 	snop  }
0xbc: {  	[tilespmem:s29], [sflag:$0x1] =	stream.indirect.gather [hbm4b:s9+s13], $0x20, s28, s13, $0xb8;
	[tilespmem:$0x12800] =	vst v63  }
0xbd: {  	_ = 	snop  }
0xbe: {  	[tilespmem:s31], [sflag:$0x1] =	stream.indirect.gather [hbm4b:s10+s13], $0x10, s30, s13, $0xb8;
	[tilespmem:$0x12800] =	vst v63  }
0xbf: {  	_ = 	snop  }
0xc0: {  	[tilespmem:s23], [sflag:$0x1] =	stream.indirect.gather [hbm4b:s11+s13], $0x20, s22, s13, $0xb8;
	[tilespmem:$0x12800] =	vst v63  }
0xc1: {  	_ =	swait.ge [sflag:s12], $0x2000  }
0xc2: {  	[sflag:s12] =	ssyncset.done $0x0  }
0xc3: {  	[sflag:s12] =	ssyncadd.s32 $0xFFFFE000  }
0xc4: {  	_ =	swait.ge [sflag:s12], $0x1000  }
0xc5: {  	[sflag:s12] =	ssyncset.done $0x0  }
0xc6: {  	[sflag:s12] =	ssyncadd.s32 $0xFFFFF000  }
0xc7: {  	_ =	swait.ge [sflag:s12], $0x800  }
0xc8: {  	[sflag:s12] =	ssyncset.done $0x0  }
0xc9: {  	[sflag:s12] =	ssyncadd.s32 $0xFFFFF800  }
0xca: {  	_ =	swait.ge [sflag:s12], $0x1000  }
0xcb: {  	[sflag:s12] =	ssyncset.done $0x0  }
0xcc: {  	[sflag:s12] =	ssyncadd.s32 $0xFFFFF000  }
0xcd: {  	_ =	swait.ge [sflag:s12], $0x2000  }
0xce: {  	[sflag:s12] =	ssyncset.done $0x0  }
0xcf: {  	[sflag:s12] =	ssyncadd.s32 $0xFFFFE000  }
0xd0: {  	_ =	swait.ge [sflag:s12], $0x1000  }
0xd1: {  	[sflag:s12] =	ssyncset.done $0x0  }
0xd2: {  	[sflag:s12] =	ssyncadd.s32 $0xFFFFF000  }
0xd3: {  	_ =	swait.ge [sflag:s12], $0x800  }
0xd4: {  	[sflag:s12] =	ssyncset.done $0x0  }
0xd5: {  	[sflag:s12] =	ssyncadd.s32 $0xFFFFF800  }
0xd6: {  	_ =	swait.ge [sflag:s12], $0x1000  }
0xd7: {  	[sflag:s12] =	ssyncset.done $0x0  }
0xd8: {  	[sflag:s12] =	ssyncadd.s32 $0xFFFFF000  }
0xd9: {  	_ =	swait.ge [sflag:s12], $0x2000  }
0xda: {  	[sflag:s12] =	ssyncset.done $0x0  }
0xdb: {  	[sflag:s12] =	ssyncadd.s32 $0xFFFFE000  }
0xdc: {  	_ =	swait.ge [sflag:s12], $0x1000  }
0xdd: {  	[sflag:s12] =	ssyncset.done $0x0  }
0xde: {  	[sflag:s12] =	ssyncadd.s32 $0xFFFFF000  }
0xdf: {  	_ =	swait.ge [sflag:s12], $0x800  }
0xe0: {  	[sflag:s12] =	ssyncset.done $0x0  }
0xe1: {  	[sflag:s12] =	ssyncadd.s32 $0xFFFFF800  }
0xe2: {  	_ =	swait.ge [sflag:s12], $0x1000  }
0xe3: {  	[sflag:s12] =	ssyncset.done $0x0  }
0xe4: {  	[sflag:s12] =	ssyncadd.s32 $0xFFFFF000  }
0xe5: {  	_ =	swait.ge [sflag:s12], $0x2000  }
0xe6: {  	[sflag:s12] =	ssyncset.done $0x0  }
0xe7: {  	[sflag:s12] =	ssyncadd.s32 $0xFFFFE000  }
0xe8: {  	_ =	swait.ge [sflag:s12], $0x1000  }
0xe9: {  	[sflag:s12] =	ssyncset.done $0x0  }
0xea: {  	[sflag:s12] =	ssyncadd.s32 $0xFFFFF000  }
0xeb: {  	_ =	swait.ge [sflag:s12], $0x800  }
0xec: {  	[sflag:s12] =	ssyncset.done $0x0  }
0xed: {  	[sflag:s12] =	ssyncadd.s32 $0xFFFFF800  }
0xee: {  	_ =	swait.ge [sflag:s12], $0x1000  }
0xef: {  	[sflag:s12] =	ssyncset.done $0x0  }
0xf0: {  	s17 =	rddreg [dreg:$0x8];
	[sflag:s12] =	ssyncadd.s32 $0xFFFFF000  }
0xf1: {  	[hbm4b:s17+s2] =	stream.linear.scatter [tilespmem:s7], [sflag:$0x2], $0x8000, $0x38;
	[tilespmem:$0x12800] =	vst v63  }
0xf2: {  	_ =	swait.ge [sflag:s3], $0x8000  }
0xf3: {  	[sflag:s3] =	ssyncset.done $0x0  }
0xf4: {  	s18 =	rddreg [dreg:$0x9];
	[sflag:s3] =	ssyncadd.s32 $0xFFFF8000  }
0xf5: {  	[hbm4b:s18+s2] =	stream.linear.scatter [tilespmem:s6], [sflag:$0x2], $0x4000, $0x38;
	[tilespmem:$0x12800] =	vst v63  }
0xf6: {  	_ =	swait.ge [sflag:s3], $0x4000  }
0xf7: {  	[sflag:s3] =	ssyncset.done $0x0  }
0xf8: {  	s17 =	rddreg [dreg:$0xa];
	[sflag:s3] =	ssyncadd.s32 $0xFFFFC000  }
0xf9: {  	[hbm4b:s17+s2] =	stream.linear.scatter [tilespmem:s5], [sflag:$0x2], $0x2000, $0x38;
	[tilespmem:$0x12800] =	vst v63  }
0xfa: {  	p1 =	sne.s32 s1, $0x1;
	_ =	swait.ge [sflag:s3], $0x2000  }
.Ltmp2:
0xfb: {  	[sflag:s3] =	ssyncset.done $0x0;
	(pc) =	sbr.rel @p1 .LBB2_4-.Ltmp2, $4  }
0xfc: {  	s18 =	rddreg [dreg:$0xb];
	[sflag:s3] =	ssyncadd.s32 $0xFFFFE000  }
0xfd: {  	[hbm4b:s18+s2] =	stream.linear.scatter [tilespmem:s4], [sflag:$0x2], $0x4000, $0x38;
	[tilespmem:$0x12800] =	vst v63  }
0xfe: {  	_ =	swait.ge [sflag:s3], $0x4000  }
0xff: {  	s1 =	sadd.s32 $0xFFFFFFFF, s1;
	s0 =	rddreg [dreg:$0x4];
	[sflag:s3] =	ssyncset.done $0x0  }
0x100: {  	s17 =	simm.s32 $0x780;
	s31 =	simm.s32 $0xE000  }
0x101: {  	s30 =	simm.s32 $0x580;
	s29 =	simm.s32 $0xB800;
	s28 =	simm.s32 $0x380  }
0x102: {  	s26 =	simm.s32 $0x6800;
	s25 =	simm.s32 $0x180;
	s24 =	simm.s32 $0x10800  }
0x103: {  	s23 =	simm.s32 $0x700;
	s22 =	simm.s32 $0xD800;
	s18 =	rddreg [dreg:$0x3]  }
.LBB2_6:
0x104: {  	[sflag:s3] =	ssyncadd.s32 @p0 $0xFFFFC000  }
0x105: {  	[tilespmem:s2], [sflag:$0x2] =	stream.linear.gather [hbm4b:s0+s2], $0x200, $0x38;
	[tilespmem:$0x12800] =	vst v63  }
0x106: {  	_ =	swait.ge [sflag:s3], $0x200  }
0x107: {  	[sflag:s3] =	ssyncset.done $0x0  }
0x108: {  	s1 =	rddreg [dreg:$0x5];
	[sflag:s3] =	ssyncadd.s32 $0xFFFFFE00  }
0x109: {  	[tilespmem:s14], [sflag:$0x2] =	stream.linear.gather [hbm4b:s1+s2], $0x200, $0x38;
	[tilespmem:$0x12800] =	vst v63  }
0x10a: {  	_ =	swait.ge [sflag:s3], $0x200  }
0x10b: {  	[sflag:s3] =	ssyncset.done $0x0  }
0x10c: {  	s1 =	rddreg [dreg:$0x6];
	[sflag:s3] =	ssyncadd.s32 $0xFFFFFE00  }
0x10d: {  	[tilespmem:s15], [sflag:$0x2] =	stream.linear.gather [hbm4b:s1+s2], $0x200, $0x38;
	[tilespmem:$0x12800] =	vst v63  }
0x10e: {  	_ =	swait.ge [sflag:s3], $0x200  }
0x10f: {  	[sflag:s3] =	ssyncset.done $0x0  }
0x110: {  	s1 =	rddreg [dreg:$0x7];
	[sflag:s3] =	ssyncadd.s32 $0xFFFFFE00  }
0x111: {  	[tilespmem:s16], [sflag:$0x2] =	stream.linear.gather [hbm4b:s1+s2], $0x200, $0x38;
	[tilespmem:$0x12800] =	vst v63  }
0x112: {  	_ =	swait.ge [sflag:s3], $0x200  }
0x113: {  	[sflag:s3] =	ssyncset.done $0x0  }
0x114: {  	[sflag:s3] =	ssyncadd.s32 $0xFFFFFE00  }
0x115: {  	[tilespmem:s7], [sflag:$0x1] =	stream.indirect.gather [hbm4b:s8+s13], $0x40, s2, s13, $0xb8;
	[tilespmem:$0x12800] =	vst v63  }
0x116: {  	s1 =	rddreg [dreg:$0xc]  }
0x117: {  	[tilespmem:s6], [sflag:$0x1] =	stream.indirect.gather [hbm4b:s9+s13], $0x20, s14, s13, $0xb8;
	[tilespmem:$0x12800] =	vst v63  }
0x118: {  	s14 =	rddreg [dreg:$0xe]  }
0x119: {  	[tilespmem:s5], [sflag:$0x1] =	stream.indirect.gather [hbm4b:s10+s13], $0x10, s15, s13, $0xb8;
	[tilespmem:$0x12800] =	vst v63  }
0x11a: {  	s15 =	rddreg [dreg:$0x10]  }
0x11b: {  	[tilespmem:s4], [sflag:$0x1] =	stream.indirect.gather [hbm4b:s11+s13], $0x20, s16, s13, $0xb8;
	[tilespmem:$0x12800] =	vst v63  }
0x11c: {  	s16 =	rddreg [dreg:$0xf]  }
0x11d: {  	[tilespmem:s1], [sflag:$0x1] =	stream.indirect.gather [hbm4b:s8+s13], $0x40, s13, s13, $0xb8;
	[tilespmem:$0x12800] =	vst v63  }
0x11e: {  	s1 =	rddreg [dreg:$0xd]  }
0x11f: {  	[tilespmem:s14], [sflag:$0x1] =	stream.indirect.gather [hbm4b:s9+s13], $0x20, s1, s13, $0xb8;
	[tilespmem:$0x12800] =	vst v63  }
0x120: {  	s1 =	rddreg [dreg:$0x12]  }
0x121: {  	s14 =	rddreg [dreg:$0x11]  }
0x122: {  	[tilespmem:s15], [sflag:$0x1] =	stream.indirect.gather [hbm4b:s10+s13], $0x10, s16, s13, $0xb8;
	[tilespmem:$0x12800] =	vst v63  }
0x123: {  	s15 =	rddreg [dreg:$0x14]  }
0x124: {  	[tilespmem:s1], [sflag:$0x1] =	stream.indirect.gather [hbm4b:s11+s13], $0x20, s14, s13, $0xb8;
	[tilespmem:$0x12800] =	vst v63  }
0x125: {  	s16 =	rddreg [dreg:$0x13]  }
0x126: {  	[tilespmem:s15], [sflag:$0x1] =	stream.indirect.gather [hbm4b:s8+s13], $0x40, s16, s13, $0xb8;
	[tilespmem:$0x12800] =	vst v63  }
0x127: {  	_ = 	snop  }
0x128: {  	[tilespmem:s20], [sflag:$0x1] =	stream.indirect.gather [hbm4b:s9+s13], $0x20, s19, s13, $0xb8;
	[tilespmem:$0x12800] =	vst v63  }
0x129: {  	_ = 	snop  }
0x12a: {  	[tilespmem:s22], [sflag:$0x1] =	stream.indirect.gather [hbm4b:s10+s13], $0x10, s21, s13, $0xb8;
	[tilespmem:$0x12800] =	vst v63  }
0x12b: {  	_ = 	snop  }
0x12c: {  	[tilespmem:s24], [sflag:$0x1] =	stream.indirect.gather [hbm4b:s11+s13], $0x20, s23, s13, $0xb8;
	[tilespmem:$0x12800] =	vst v63  }
0x12d: {  	_ = 	snop  }
0x12e: {  	[tilespmem:s26], [sflag:$0x1] =	stream.indirect.gather [hbm4b:s8+s13], $0x40, s25, s13, $0xb8;
	[tilespmem:$0x12800] =	vst v63  }
0x12f: {  	_ = 	snop  }
0x130: {  	[tilespmem:s29], [sflag:$0x1] =	stream.indirect.gather [hbm4b:s9+s13], $0x20, s28, s13, $0xb8;
	[tilespmem:$0x12800] =	vst v63  }
0x131: {  	_ = 	snop  }
0x132: {  	[tilespmem:s31], [sflag:$0x1] =	stream.indirect.gather [hbm4b:s10+s13], $0x10, s30, s13, $0xb8;
	[tilespmem:$0x12800] =	vst v63  }
0x133: {  	s25 =	simm.s32 $0x11800  }
0x134: {  	[tilespmem:s25], [sflag:$0x1] =	stream.indirect.gather [hbm4b:s11+s13], $0x20, s17, s13, $0xb8;
	[tilespmem:$0x12800] =	vst v63  }
0x135: {  	_ =	swait.ge [sflag:s12], $0x2000  }
0x136: {  	[sflag:s12] =	ssyncset.done $0x0  }
0x137: {  	[sflag:s12] =	ssyncadd.s32 $0xFFFFE000  }
0x138: {  	_ =	swait.ge [sflag:s12], $0x1000  }
0x139: {  	[sflag:s12] =	ssyncset.done $0x0  }
0x13a: {  	[sflag:s12] =	ssyncadd.s32 $0xFFFFF000  }
0x13b: {  	_ =	swait.ge [sflag:s12], $0x800  }
0x13c: {  	[sflag:s12] =	ssyncset.done $0x0  }
0x13d: {  	[sflag:s12] =	ssyncadd.s32 $0xFFFFF800  }
0x13e: {  	_ =	swait.ge [sflag:s12], $0x1000  }
0x13f: {  	[sflag:s12] =	ssyncset.done $0x0  }
0x140: {  	[sflag:s12] =	ssyncadd.s32 $0xFFFFF000  }
0x141: {  	_ =	swait.ge [sflag:s12], $0x2000  }
0x142: {  	[sflag:s12] =	ssyncset.done $0x0  }
0x143: {  	[sflag:s12] =	ssyncadd.s32 $0xFFFFE000  }
0x144: {  	_ =	swait.ge [sflag:s12], $0x1000  }
0x145: {  	[sflag:s12] =	ssyncset.done $0x0  }
0x146: {  	[sflag:s12] =	ssyncadd.s32 $0xFFFFF000  }
0x147: {  	_ =	swait.ge [sflag:s12], $0x800  }
0x148: {  	[sflag:s12] =	ssyncset.done $0x0  }
0x149: {  	[sflag:s12] =	ssyncadd.s32 $0xFFFFF800  }
0x14a: {  	_ =	swait.ge [sflag:s12], $0x1000  }
0x14b: {  	[sflag:s12] =	ssyncset.done $0x0  }
0x14c: {  	[sflag:s12] =	ssyncadd.s32 $0xFFFFF000  }
0x14d: {  	_ =	swait.ge [sflag:s12], $0x2000  }
0x14e: {  	[sflag:s12] =	ssyncset.done $0x0  }
0x14f: {  	[sflag:s12] =	ssyncadd.s32 $0xFFFFE000  }
0x150: {  	_ =	swait.ge [sflag:s12], $0x1000  }
0x151: {  	[sflag:s12] =	ssyncset.done $0x0  }
0x152: {  	[sflag:s12] =	ssyncadd.s32 $0xFFFFF000  }
0x153: {  	_ =	swait.ge [sflag:s12], $0x800  }
0x154: {  	[sflag:s12] =	ssyncset.done $0x0  }
0x155: {  	[sflag:s12] =	ssyncadd.s32 $0xFFFFF800  }
0x156: {  	_ =	swait.ge [sflag:s12], $0x1000  }
0x157: {  	[sflag:s12] =	ssyncset.done $0x0  }
0x158: {  	[sflag:s12] =	ssyncadd.s32 $0xFFFFF000  }
0x159: {  	_ =	swait.ge [sflag:s12], $0x2000  }
0x15a: {  	[sflag:s12] =	ssyncset.done $0x0  }
0x15b: {  	[sflag:s12] =	ssyncadd.s32 $0xFFFFE000  }
0x15c: {  	_ =	swait.ge [sflag:s12], $0x1000  }
0x15d: {  	[sflag:s12] =	ssyncset.done $0x0  }
0x15e: {  	[sflag:s12] =	ssyncadd.s32 $0xFFFFF000  }
0x15f: {  	_ =	swait.ge [sflag:s12], $0x800  }
0x160: {  	[sflag:s12] =	ssyncset.done $0x0  }
0x161: {  	[sflag:s12] =	ssyncadd.s32 $0xFFFFF800  }
0x162: {  	_ =	swait.ge [sflag:s12], $0x1000  }
0x163: {  	[sflag:s12] =	ssyncset.done $0x0  }
0x164: {  	s26 =	rddreg [dreg:$0x8];
	[sflag:s12] =	ssyncadd.s32 $0xFFFFF000  }
0x165: {  	[hbm4b:s26+s2] =	stream.linear.scatter [tilespmem:s7], [sflag:$0x2], $0x8000, $0x38;
	[tilespmem:$0x12800] =	vst v63  }
0x166: {  	_ =	swait.ge [sflag:s3], $0x8000  }
0x167: {  	[sflag:s3] =	ssyncset.done $0x0  }
0x168: {  	s28 =	rddreg [dreg:$0x9];
	[sflag:s3] =	ssyncadd.s32 $0xFFFF8000  }
0x169: {  	[hbm4b:s28+s2] =	stream.linear.scatter [tilespmem:s6], [sflag:$0x2], $0x4000, $0x38;
	[tilespmem:$0x12800] =	vst v63  }
0x16a: {  	_ =	swait.ge [sflag:s3], $0x4000  }
0x16b: {  	[sflag:s3] =	ssyncset.done $0x0  }
0x16c: {  	s29 =	rddreg [dreg:$0xa];
	[sflag:s3] =	ssyncadd.s32 $0xFFFFC000  }
0x16d: {  	[hbm4b:s29+s2] =	stream.linear.scatter [tilespmem:s5], [sflag:$0x2], $0x2000, $0x38;
	[tilespmem:$0x12800] =	vst v63  }
0x16e: {  	_ =	swait.ge [sflag:s3], $0x2000  }
0x16f: {  	[sflag:s3] =	ssyncset.done $0x0  }
0x170: {  	s30 =	rddreg [dreg:$0xb];
	[sflag:s3] =	ssyncadd.s32 $0xFFFFE000  }
0x171: {  	[hbm4b:s30+s2] =	stream.linear.scatter [tilespmem:s4], [sflag:$0x2], $0x4000, $0x38;
	[tilespmem:$0x12800] =	vst v63  }
0x172: {  	_ =	swait.ge [sflag:s3], $0x4000  }
0x173: {  	[sflag:s3] =	ssyncset.done $0x0  }
0x174: {  	[sflag:s3] =	ssyncadd.s32 $0xFFFFC000  }
0x175: {  	_ =	sfence.sel $0x180000  }
0x176: {  	s31 =	stileid.u32;
	[bflag:$0x0] =	sbarrier.arrive $0xFFFF  }
0x177: {  	p0 =	sne.s32 s31, $0x0;
	_ =	strace $0x90000047  }
0x178: {  	s0 =	sadd.s32 @!p0 $0x100000, s18;
	[bflag:$0x2] =	sbarrier.arrive $0xFFFF  }
0x179: {  	[sflag:s0] =	ssyncadd.tile.s32 @!p0 $0x1;
	_ =	shalt  }
.LBB2_1:
.Ltmp3:
0x17a: {  	(pc) =	sbr.rel .LBB2_6-.Ltmp3, $4  }
0x17b: {  	s17 =	simm.s32 $0x780  }
0x17c: {  	s31 =	simm.s32 $0xE000;
	s30 =	simm.s32 $0x580;
	s29 =	simm.s32 $0xB800  }
0x17d: {  	s28 =	simm.s32 $0x380;
	s26 =	simm.s32 $0x6800;
	s25 =	simm.s32 $0x180  }
0x17e: {  	s24 =	simm.s32 $0x10800;
	s23 =	simm.s32 $0x700;
	s22 =	simm.s32 $0xD800  }
.LBB2_3:
.Ltmp4:
0x17f: {  	(pc) =	sbr.rel .LBB2_6-.Ltmp4, $4  }
0x180: {  	s17 =	simm.s32 $0x780;
	s31 =	simm.s32 $0xE000  }
0x181: {  	s30 =	simm.s32 $0x580;
	s29 =	simm.s32 $0xB800;
	s28 =	simm.s32 $0x380  }
0x182: {  	s26 =	simm.s32 $0x6800;
	s25 =	simm.s32 $0x180;
	s24 =	simm.s32 $0x10800  }
0x183: {  	s23 =	simm.s32 $0x700;
	s22 =	simm.s32 $0xD800;
	s18 =	rddreg [dreg:$0x3]  }
.Lfunc_end2:
_tile_overlayer_lowered:
.L_overlay_start_2:
0x184: {  	(tag) =	ssettag $0x2  }
0x185: {  	s0 =	rddreg [dreg:$0x0];
	s2 =	stileid.u32  }
0x186: {  	s1 =	rddreg [dreg:$0x1];
	p0 =	sne.s32 s2, $0x0  }
0x187: {  	s3 =	rddreg [dreg:$0x2];
	[bflag:$0x3] =	sbarrier.arrive $0xFFFF;
	s2 =	simm.s32 @!p0 $0x1C02  }
0x188: {  	[timem:s3], [sflag:s2] =	dma.local @!p0 [hbm:s0], s1  }
0x189: {  	s0 =	simm.s32 @!p0 $0x2  }
0x18a: {  	_ =	swait.ge @!p0 [sflag:s0], s1  }
0x18b: {  	s1 =	ssub.s32 @!p0 $0x0, s1;
	[sflag:s0] =	ssyncset.done @!p0 $0x0  }
0x18c: {  	[sflag:s0] =	ssyncadd.s32 @!p0 s1  }
0x18d: {  	[bflag:$0x3] =	sbarrier.arrive $0xFFFF  }
0x18e: {  	_ =	shalt  }

</sc_bundles>
